<compile_context>
chip_gen: v7x
topology: tpu7x:2x2x1
jax: 0.10.2.dev20260603
libtpu: 0.0.44.dev20260713+nightly
codegen_flags: <defaults>
</compile_context>

<pallas_src>
import math

import jax
import jax.numpy as jnp
from jax import lax
from jax.experimental import pallas as pl
from jax.experimental.pallas import tpu as pltpu
from jax.experimental.pallas import tpu_sc as plsc

N_NODES_C = 10000
N_EDGES_C = 320000
D_FEAT_C = 128
INV_SQRT_D = 1.0 / math.sqrt(D_FEAT_C)

NC = 2
NS = 16
NW = NC * NS
LANES = 16

E_PER_TILE = N_EDGES_C // NW


ROWSUM_BLK = 1024
ROWSUM_CHUNKS = 10


NBUF = 6


def _rowsum_tc_kernel(x_hbm, o_ref, *scratch):
    bufs, sems = scratch[:NBUF], scratch[NBUF:]

    def copy(t):
        if t == ROWSUM_CHUNKS - 1:
            rows = N_NODES_C - (ROWSUM_CHUNKS - 1) * ROWSUM_BLK
            return pltpu.make_async_copy(
                x_hbm.at[pl.ds(t * ROWSUM_BLK, rows)],
                bufs[t % NBUF].at[pl.ds(0, rows)], sems[t % NBUF])
        return pltpu.make_async_copy(
            x_hbm.at[pl.ds(t * ROWSUM_BLK, ROWSUM_BLK)],
            bufs[t % NBUF], sems[t % NBUF])

    for t in range(NBUF - 1):
        copy(t).start()
    for t in range(ROWSUM_CHUNKS):
        if t + NBUF - 1 < ROWSUM_CHUNKS:
            copy(t + NBUF - 1).start()
        copy(t).wait()
        s = jnp.sum(bufs[t % NBUF][...], axis=1)
        o_ref[pl.ds(t * 8, 8), :] = s.reshape(8, 128)


def _rowsum_2d(node_embeds):
    return pl.pallas_call(
        _rowsum_tc_kernel,
        in_specs=[pl.BlockSpec(memory_space=pltpu.MemorySpace.HBM)],
        name="rowsum_stream",
        out_shape=jax.ShapeDtypeStruct((80, 128), jnp.float32),
        scratch_shapes=(
            [pltpu.VMEM((ROWSUM_BLK, D_FEAT_C), jnp.float32)] * NBUF
            + [pltpu.SemaphoreType.DMA] * NBUF
        ),
    )(pltpu.with_memory_space_constraint(node_embeds, pltpu.MemorySpace.HBM))


WIN = 10240


def _edge_score_sc(table_hbm, ei_hbm, out_hbm,
                   table_v, ei_v, out_v, sem, sem2):
    wid = lax.axis_index("s") * NC + lax.axis_index("c")
    base = wid * E_PER_TILE
    abase = pl.multiple_of(
        jnp.minimum((base // 128) * 128, N_EDGES_C - WIN), 128)
    off0 = base - abase
    half = WIN // 2
    ct = pltpu.make_async_copy(table_hbm, table_v, sem)
    ce0 = pltpu.make_async_copy(
        ei_hbm.at[:, pl.ds(abase, half)], ei_v.at[:, pl.ds(0, half)], sem2)
    ce1 = pltpu.make_async_copy(
        ei_hbm.at[:, pl.ds(abase + half, half)],
        ei_v.at[:, pl.ds(half, half)], sem)
    ct.start()
    ce0.start()
    ce1.start()
    ct.wait()
    ce0.wait()

    n_steps = E_PER_TILE // LANES

    def gather_16(i):
        off = off0 + i * LANES
        si = ei_v[0, pl.ds(off, LANES)]
        di = ei_v[1, pl.ds(off, LANES)]
        a = plsc.load_gather(table_v, [si >> 7, si & 127])
        b = plsc.load_gather(table_v, [di >> 7, di & 127])
        out_v[pl.ds(i * LANES, LANES)] = (a - b) * INV_SQRT_D

    first = (half - 256) // LANES

    @plsc.parallel_loop(0, first, step=1, unroll=8)
    def body_a(i):
        gather_16(i)

    ce1.wait()

    @plsc.parallel_loop(first, n_steps, step=1, unroll=8)
    def body_b(i):
        gather_16(i)

    pltpu.sync_copy(out_v, out_hbm.at[pl.ds(base, E_PER_TILE)])


@jax.jit
def kernel(node_embeds, edge_index):
    rowsum = _rowsum_2d(node_embeds)
    idx = edge_index.astype(jnp.int32)

    mesh = plsc.VectorSubcoreMesh(core_axis_name="c", subcore_axis_name="s")
    score = pl.kernel(
        _edge_score_sc,
        out_type=jax.ShapeDtypeStruct((N_EDGES_C,), jnp.float32),
        mesh=mesh,
        scratch_types=[
            pltpu.VMEM((80, 128), jnp.float32),
            pltpu.VMEM((2, WIN), jnp.int32),
            pltpu.VMEM((E_PER_TILE,), jnp.float32),
            pltpu.SemaphoreType.DMA,
            pltpu.SemaphoreType.DMA,
        ],
        compiler_params=pltpu.CompilerParams(needs_layout_passes=False),
    )(rowsum, idx)
    return score

# --- scband reference (transcript-rebuilt; emitter-appended) ---
"""Pipeline reference for scband-dot-pred-13013750907177 (READ-ONLY COPY).

The authoritative reference and input builder live on the scoring server;
editing this copy changes nothing except your own understanding.
"""

import jax, jax.numpy as jnp
import numpy as np

N_NODES = 10000
N_EDGES = 320000
D_FEAT = 128

def setup_inputs(seed: int = 0) -> dict:
    key = jax.random.key(seed)
    k1, k2 = jax.random.split(key)
    node_embeds = jax.random.normal(k1, (N_NODES, D_FEAT), dtype=jnp.float32)
    edge_index = jax.random.randint(k2, (2, N_EDGES), 0, N_NODES, dtype=jnp.int64)
    return {"node_embeds": node_embeds, "edge_index": edge_index}

def reference(node_embeds, edge_index):
    # DGL u_sub_v('x','x','score') on a single canonical etype:
    # per-edge score = sum(x_src - x_dst, axis=-1) / sqrt(in_dim)
    src = edge_index[0]
    dst = edge_index[1]
    x_src = jnp.take(node_embeds, src, axis=0)
    x_dst = jnp.take(node_embeds, dst, axis=0)
    score = (x_src - x_dst).sum(axis=-1) / np.sqrt(D_FEAT)
    return score

if __name__ == "__main__":
    import jax
    _d = setup_inputs()
    print(jax.jit(kernel)(*tuple(_d.values())))

</pallas_src>

<mosaic_0001>
#map = affine_map<(d0, d1) -> (0, 0)>
#map1 = affine_map<(d0, d1) -> (0)>
module attributes {stable_mosaic.version = 14 : i64} {
  func.func @_edge_score_sc(%arg0: i32, %arg1: i32, %arg2: memref<80x128xf32, #tpu.memory_space<hbm>>, %arg3: memref<2x320000xi32, #tpu.memory_space<hbm>>, %arg4: memref<320000xf32, #tpu.memory_space<hbm>>, %arg5: memref<80x128xf32, #tpu.memory_space<vmem>>, %arg6: memref<2x10240xi32, #tpu.memory_space<vmem>>, %arg7: memref<10000xf32, #tpu.memory_space<vmem>>, %arg8: memref<!tpu.dma_semaphore, #tpu.memory_space<semaphore_mem>>, %arg9: memref<!tpu.dma_semaphore, #tpu.memory_space<semaphore_mem>>) attributes {dimension_semantics = [#tpu.dimension_semantics<core_parallel>, #tpu.dimension_semantics<subcore_parallel>], iteration_bounds = array<i64: 2, 16>, scalar_prefetch = 0 : i64, scratch_operands = 5 : i64, tpu.core_type = #tpu.core_type<sc_vector_subcore>, window_params = [{transform_indices = #map}, {transform_indices = #map}, {transform_indices = #map1}]} {
    %mul3A = arith.constant 2 : i32
    %mul3A_0 = arith.muli %arg1, %mul3A : i32
    %add3A = arith.addi %mul3A_0, %arg0 : i32
    %mul3A_1 = arith.constant 10000 : i32
    %mul3A_2 = arith.muli %add3A, %mul3A_1 : i32
    %jit3A = arith.constant 128 : i32
    %div3A = arith.divsi %mul3A_2, %jit3A : i32
    %sign3A = arith.constant 0 : i32
    %sign3A_3 = arith.cmpi sgt, %mul3A_2, %sign3A : i32
    %sign3A_4 = arith.extui %sign3A_3 : i1 to i32
    %sign3A_5 = arith.constant 0 : i32
    %sign3A_6 = arith.cmpi slt, %mul3A_2, %sign3A_5 : i32
    %sign3A_7 = arith.extui %sign3A_6 : i1 to i32
    %sign3A_8 = arith.subi %sign3A_4, %sign3A_7 : i32
    %sign3A_9 = arith.constant 0 : i32
    %sign3A_10 = arith.cmpi sgt, %jit3A, %sign3A_9 : i32
    %sign3A_11 = arith.extui %sign3A_10 : i1 to i32
    %sign3A_12 = arith.constant 0 : i32
    %sign3A_13 = arith.cmpi slt, %jit3A, %sign3A_12 : i32
    %sign3A_14 = arith.extui %sign3A_13 : i1 to i32
    %sign3A_15 = arith.subi %sign3A_11, %sign3A_14 : i32
    %ne3A = arith.cmpi ne, %sign3A_8, %sign3A_15 : i32
    %rem3A = arith.remsi %mul3A_2, %jit3A : i32
    %ne3A_16 = arith.constant 0 : i32
    %ne3A_17 = arith.cmpi ne, %rem3A, %ne3A_16 : i32
    %and3A = arith.andi %ne3A, %ne3A_17 : i1
    %sub3A = arith.constant 1 : i32
    %sub3A_18 = arith.subi %div3A, %sub3A : i32
    %select_n3A = arith.select %and3A, %sub3A_18, %div3A : i32
    %mul3A_19 = arith.constant 128 : i32
    %mul3A_20 = arith.muli %select_n3A, %mul3A_19 : i32
    %min3A = arith.constant 309760 : i32
    %min3A_21 = arith.minsi %mul3A_20, %min3A : i32
    %multiple_of3A = tpu.assume_multiple %min3A_21, 128 : i32
    %sub3A_22 = arith.subi %mul3A_2, %multiple_of3A : i32
    %add3A_23 = arith.constant 5120 : i32
    %add3A_24 = arith.addi %multiple_of3A, %add3A_23 : i32
    tpu.enqueue_dma source(%arg2 : memref<80x128xf32, #tpu.memory_space<hbm>>) target(%arg5 : memref<80x128xf32, #tpu.memory_space<vmem>>) target_semaphore(%arg8 : memref<!tpu.dma_semaphore, #tpu.memory_space<semaphore_mem>>)
    %dma_start3A = arith.constant 0 : i32
    %dma_start3A_25 = arith.constant 0 : i32
    %dma_start3A_26 = tpu.memref_slice %arg6[%dma_start3A, %dma_start3A_25] : memref<2x10240xi32, #tpu.memory_space<vmem>> -> memref<2x5120xi32, #tpu.memory_space<vmem>>
    %dma_start3A_27 = arith.constant 0 : i32
    %dma_start3A_28 = tpu.memref_slice %arg3[%dma_start3A_27, %multiple_of3A] : memref<2x320000xi32, #tpu.memory_space<hbm>> -> memref<2x5120xi32, #tpu.memory_space<hbm>>
    %dma_start3A_29 = arith.constant 0 : i32
    %dma_start3A_30 = arith.constant 0 : i32
    %dma_start3A_31 = tpu.memref_slice %arg6[%dma_start3A_29, %dma_start3A_30] : memref<2x10240xi32, #tpu.memory_space<vmem>> -> memref<2x5120xi32, #tpu.memory_space<vmem>>
    %dma_start3A_32 = arith.constant 0 : i32
    %dma_start3A_33 = tpu.memref_slice %arg3[%dma_start3A_32, %multiple_of3A] : memref<2x320000xi32, #tpu.memory_space<hbm>> -> memref<2x5120xi32, #tpu.memory_space<hbm>>
    tpu.enqueue_dma source(%dma_start3A_33 : memref<2x5120xi32, #tpu.memory_space<hbm>>) target(%dma_start3A_31 : memref<2x5120xi32, #tpu.memory_space<vmem>>) target_semaphore(%arg9 : memref<!tpu.dma_semaphore, #tpu.memory_space<semaphore_mem>>)
    %dma_start3A_34 = arith.constant 0 : i32
    %dma_start3A_35 = arith.constant 5120 : i32
    %dma_start3A_36 = tpu.memref_slice %arg6[%dma_start3A_34, %dma_start3A_35] : memref<2x10240xi32, #tpu.memory_space<vmem>> -> memref<2x5120xi32, #tpu.memory_space<vmem>>
    %dma_start3A_37 = arith.constant 0 : i32
    %dma_start3A_38 = tpu.memref_slice %arg3[%dma_start3A_37, %add3A_24] : memref<2x320000xi32, #tpu.memory_space<hbm>> -> memref<2x5120xi32, #tpu.memory_space<hbm>>
    %dma_start3A_39 = arith.constant 0 : i32
    %dma_start3A_40 = arith.constant 5120 : i32
    %dma_start3A_41 = tpu.memref_slice %arg6[%dma_start3A_39, %dma_start3A_40] : memref<2x10240xi32, #tpu.memory_space<vmem>> -> memref<2x5120xi32, #tpu.memory_space<vmem>>
    %dma_start3A_42 = arith.constant 0 : i32
    %dma_start3A_43 = tpu.memref_slice %arg3[%dma_start3A_42, %add3A_24] : memref<2x320000xi32, #tpu.memory_space<hbm>> -> memref<2x5120xi32, #tpu.memory_space<hbm>>
    tpu.enqueue_dma source(%dma_start3A_43 : memref<2x5120xi32, #tpu.memory_space<hbm>>) target(%dma_start3A_41 : memref<2x5120xi32, #tpu.memory_space<vmem>>) target_semaphore(%arg8 : memref<!tpu.dma_semaphore, #tpu.memory_space<semaphore_mem>>)
    tpu.wait_dma2 semaphore(%arg8 : memref<!tpu.dma_semaphore, #tpu.memory_space<semaphore_mem>>) src(%arg2 : memref<80x128xf32, #tpu.memory_space<hbm>>) dst(%arg5 : memref<80x128xf32, #tpu.memory_space<vmem>>)
    %dma_wait3A = arith.constant 0 : i32
    %dma_wait3A_44 = arith.constant 0 : i32
    %dma_wait3A_45 = tpu.memref_slice %arg6[%dma_wait3A, %dma_wait3A_44] : memref<2x10240xi32, #tpu.memory_space<vmem>> -> memref<2x5120xi32, #tpu.memory_space<vmem>>
    %dma_wait3A_46 = arith.constant 0 : i32
    %dma_wait3A_47 = tpu.memref_slice %arg3[%dma_wait3A_46, %multiple_of3A] : memref<2x320000xi32, #tpu.memory_space<hbm>> -> memref<2x5120xi32, #tpu.memory_space<hbm>>
    %dma_wait3A_48 = arith.constant 0 : i32
    %dma_wait3A_49 = arith.constant 0 : i32
    %dma_wait3A_50 = tpu.memref_slice %arg6[%dma_wait3A_48, %dma_wait3A_49] : memref<2x10240xi32, #tpu.memory_space<vmem>> -> memref<2x5120xi32, #tpu.memory_space<vmem>>
    %dma_wait3A_51 = arith.constant 0 : i32
    %dma_wait3A_52 = tpu.memref_slice %arg3[%dma_wait3A_51, %multiple_of3A] : memref<2x320000xi32, #tpu.memory_space<hbm>> -> memref<2x5120xi32, #tpu.memory_space<hbm>>
    tpu.wait_dma2 semaphore(%arg9 : memref<!tpu.dma_semaphore, #tpu.memory_space<semaphore_mem>>) src(%dma_wait3A_52 : memref<2x5120xi32, #tpu.memory_space<hbm>>) dst(%dma_wait3A_50 : memref<2x5120xi32, #tpu.memory_space<vmem>>)
    %parallel_loop3A = arith.constant 0 : i32
    %parallel_loop3A_53 = arith.constant 304 : i32
    %parallel_loop3A_54 = arith.constant 1 : i32
    scf.for %parallel_loop3A_68 = %parallel_loop3A to %parallel_loop3A_53 step %parallel_loop3A_54  : i32 {
      %parallel_loop3A_69 = arith.constant 16 : i32
      %parallel_loop3A_70 = arith.muli %parallel_loop3A_68, %parallel_loop3A_69 : i32
      %parallel_loop3A_71 = arith.addi %sub3A_22, %parallel_loop3A_70 : i32
      %parallel_loop3A_72 = arith.constant 0 : i32
      %parallel_loop3A_73 = arith.index_cast %parallel_loop3A_72 : i32 to index
      %parallel_loop3A_74 = arith.index_cast %parallel_loop3A_71 : i32 to index
      %parallel_loop3A_75 = tpu.vector_load %arg6[%parallel_loop3A_73, %parallel_loop3A_74] {strides = array<i32>} : memref<2x10240xi32, #tpu.memory_space<vmem>>, vector<16xi32>,
      %parallel_loop3A_76 = arith.constant 1 : i32
      %parallel_loop3A_77 = arith.index_cast %parallel_loop3A_76 : i32 to index
      %parallel_loop3A_78 = arith.index_cast %parallel_loop3A_71 : i32 to index
      %parallel_loop3A_79 = tpu.vector_load %arg6[%parallel_loop3A_77, %parallel_loop3A_78] {strides = array<i32>} : memref<2x10240xi32, #tpu.memory_space<vmem>>, vector<16xi32>,
      %parallel_loop3A_80 = arith.constant 7 : i32
      %parallel_loop3A_81 = vector.broadcast %parallel_loop3A_80 : i32 to vector<16xi32>
      %parallel_loop3A_82 = arith.shrsi %parallel_loop3A_75, %parallel_loop3A_81 : vector<16xi32>
      %parallel_loop3A_83 = arith.constant 127 : i32
      %parallel_loop3A_84 = vector.broadcast %parallel_loop3A_83 : i32 to vector<16xi32>
      %parallel_loop3A_85 = arith.andi %parallel_loop3A_75, %parallel_loop3A_84 : vector<16xi32>
      %parallel_loop3A_86 = tpu.vector_load_idx %arg5[%parallel_loop3A_82, %parallel_loop3A_85] : memref<80x128xf32, #tpu.memory_space<vmem>>[vector<16xi32>, vector<16xi32>], vector<16xf32>,
      %parallel_loop3A_87 = arith.constant 7 : i32
      %parallel_loop3A_88 = vector.broadcast %parallel_loop3A_87 : i32 to vector<16xi32>
      %parallel_loop3A_89 = arith.shrsi %parallel_loop3A_79, %parallel_loop3A_88 : vector<16xi32>
      %parallel_loop3A_90 = arith.constant 127 : i32
      %parallel_loop3A_91 = vector.broadcast %parallel_loop3A_90 : i32 to vector<16xi32>
      %parallel_loop3A_92 = arith.andi %parallel_loop3A_79, %parallel_loop3A_91 : vector<16xi32>
      %parallel_loop3A_93 = tpu.vector_load_idx %arg5[%parallel_loop3A_89, %parallel_loop3A_92] : memref<80x128xf32, #tpu.memory_space<vmem>>[vector<16xi32>, vector<16xi32>], vector<16xf32>,
      %parallel_loop3A_94 = arith.subf %parallel_loop3A_86, %parallel_loop3A_93 : vector<16xf32>
      %parallel_loop3A_95 = arith.constant 0.0883883461 : f32
      %parallel_loop3A_96 = vector.broadcast %parallel_loop3A_95 : f32 to vector<16xf32>
      %parallel_loop3A_97 = arith.mulf %parallel_loop3A_94, %parallel_loop3A_96 : vector<16xf32>
      %parallel_loop3A_98 = arith.constant 16 : i32
      %parallel_loop3A_99 = arith.muli %parallel_loop3A_68, %parallel_loop3A_98 : i32
      %parallel_loop3A_100 = arith.index_cast %parallel_loop3A_99 : i32 to index
      %parallel_loop3A_101 = tpu.vector_load %arg7[%parallel_loop3A_100] {strides = array<i32>} : memref<10000xf32, #tpu.memory_space<vmem>>, vector<16xf32>,
      tpu.vector_store %arg7[%parallel_loop3A_100], %parallel_loop3A_97 {strides = array<i32>} : memref<10000xf32, #tpu.memory_space<vmem>>, vector<16xf32>,
    } {sc.loop_unroll_factor = 8 : i64, sc.parallel_access}
    %dma_wait3A_55 = arith.constant 0 : i32
    %dma_wait3A_56 = arith.constant 5120 : i32
    %dma_wait3A_57 = tpu.memref_slice %arg6[%dma_wait3A_55, %dma_wait3A_56] : memref<2x10240xi32, #tpu.memory_space<vmem>> -> memref<2x5120xi32, #tpu.memory_space<vmem>>
    %dma_wait3A_58 = arith.constant 0 : i32
    %dma_wait3A_59 = tpu.memref_slice %arg3[%dma_wait3A_58, %add3A_24] : memref<2x320000xi32, #tpu.memory_space<hbm>> -> memref<2x5120xi32, #tpu.memory_space<hbm>>
    %dma_wait3A_60 = arith.constant 0 : i32
    %dma_wait3A_61 = arith.constant 5120 : i32
    %dma_wait3A_62 = tpu.memref_slice %arg6[%dma_wait3A_60, %dma_wait3A_61] : memref<2x10240xi32, #tpu.memory_space<vmem>> -> memref<2x5120xi32, #tpu.memory_space<vmem>>
    %dma_wait3A_63 = arith.constant 0 : i32
    %dma_wait3A_64 = tpu.memref_slice %arg3[%dma_wait3A_63, %add3A_24] : memref<2x320000xi32, #tpu.memory_space<hbm>> -> memref<2x5120xi32, #tpu.memory_space<hbm>>
    tpu.wait_dma2 semaphore(%arg8 : memref<!tpu.dma_semaphore, #tpu.memory_space<semaphore_mem>>) src(%dma_wait3A_64 : memref<2x5120xi32, #tpu.memory_space<hbm>>) dst(%dma_wait3A_62 : memref<2x5120xi32, #tpu.memory_space<vmem>>)
    %parallel_loop3A_65 = arith.constant 304 : i32
    %parallel_loop3A_66 = arith.constant 625 : i32
    %parallel_loop3A_67 = arith.constant 1 : i32
    scf.for %parallel_loop3A_68 = %parallel_loop3A_65 to %parallel_loop3A_66 step %parallel_loop3A_67  : i32 {
      %parallel_loop3A_69 = arith.constant 16 : i32
      %parallel_loop3A_70 = arith.muli %parallel_loop3A_68, %parallel_loop3A_69 : i32
      %parallel_loop3A_71 = arith.addi %sub3A_22, %parallel_loop3A_70 : i32
      %parallel_loop3A_72 = arith.constant 0 : i32
      %parallel_loop3A_73 = arith.index_cast %parallel_loop3A_72 : i32 to index
      %parallel_loop3A_74 = arith.index_cast %parallel_loop3A_71 : i32 to index
      %parallel_loop3A_75 = tpu.vector_load %arg6[%parallel_loop3A_73, %parallel_loop3A_74] {strides = array<i32>} : memref<2x10240xi32, #tpu.memory_space<vmem>>, vector<16xi32>,
      %parallel_loop3A_76 = arith.constant 1 : i32
      %parallel_loop3A_77 = arith.index_cast %parallel_loop3A_76 : i32 to index
      %parallel_loop3A_78 = arith.index_cast %parallel_loop3A_71 : i32 to index
      %parallel_loop3A_79 = tpu.vector_load %arg6[%parallel_loop3A_77, %parallel_loop3A_78] {strides = array<i32>} : memref<2x10240xi32, #tpu.memory_space<vmem>>, vector<16xi32>,
      %parallel_loop3A_80 = arith.constant 7 : i32
      %parallel_loop3A_81 = vector.broadcast %parallel_loop3A_80 : i32 to vector<16xi32>
      %parallel_loop3A_82 = arith.shrsi %parallel_loop3A_75, %parallel_loop3A_81 : vector<16xi32>
      %parallel_loop3A_83 = arith.constant 127 : i32
      %parallel_loop3A_84 = vector.broadcast %parallel_loop3A_83 : i32 to vector<16xi32>
      %parallel_loop3A_85 = arith.andi %parallel_loop3A_75, %parallel_loop3A_84 : vector<16xi32>
      %parallel_loop3A_86 = tpu.vector_load_idx %arg5[%parallel_loop3A_82, %parallel_loop3A_85] : memref<80x128xf32, #tpu.memory_space<vmem>>[vector<16xi32>, vector<16xi32>], vector<16xf32>,
      %parallel_loop3A_87 = arith.constant 7 : i32
      %parallel_loop3A_88 = vector.broadcast %parallel_loop3A_87 : i32 to vector<16xi32>
      %parallel_loop3A_89 = arith.shrsi %parallel_loop3A_79, %parallel_loop3A_88 : vector<16xi32>
      %parallel_loop3A_90 = arith.constant 127 : i32
      %parallel_loop3A_91 = vector.broadcast %parallel_loop3A_90 : i32 to vector<16xi32>
      %parallel_loop3A_92 = arith.andi %parallel_loop3A_79, %parallel_loop3A_91 : vector<16xi32>
      %parallel_loop3A_93 = tpu.vector_load_idx %arg5[%parallel_loop3A_89, %parallel_loop3A_92] : memref<80x128xf32, #tpu.memory_space<vmem>>[vector<16xi32>, vector<16xi32>], vector<16xf32>,
      %parallel_loop3A_94 = arith.subf %parallel_loop3A_86, %parallel_loop3A_93 : vector<16xf32>
      %parallel_loop3A_95 = arith.constant 0.0883883461 : f32
      %parallel_loop3A_96 = vector.broadcast %parallel_loop3A_95 : f32 to vector<16xf32>
      %parallel_loop3A_97 = arith.mulf %parallel_loop3A_94, %parallel_loop3A_96 : vector<16xf32>
      %parallel_loop3A_98 = arith.constant 16 : i32
      %parallel_loop3A_99 = arith.muli %parallel_loop3A_68, %parallel_loop3A_98 : i32
      %parallel_loop3A_100 = arith.index_cast %parallel_loop3A_99 : i32 to index
      %parallel_loop3A_101 = tpu.vector_load %arg7[%parallel_loop3A_100] {strides = array<i32>} : memref<10000xf32, #tpu.memory_space<vmem>>, vector<16xf32>,
      tpu.vector_store %arg7[%parallel_loop3A_100], %parallel_loop3A_97 {strides = array<i32>} : memref<10000xf32, #tpu.memory_space<vmem>>, vector<16xf32>,
    } {sc.loop_unroll_factor = 8 : i64, sc.parallel_access}
    "tpu.region"() ({
      %run_scoped3A = tpu.sem_alloc : memref<!tpu.dma_semaphore, #tpu.memory_space<semaphore_mem>>
      %dma_start3A_68 = tpu.memref_slice %arg4[%mul3A_2] : memref<320000xf32, #tpu.memory_space<hbm>> -> memref<10000xf32, #tpu.memory_space<hbm>>
      %dma_start3A_69 = tpu.memref_slice %arg4[%mul3A_2] : memref<320000xf32, #tpu.memory_space<hbm>> -> memref<10000xf32, #tpu.memory_space<hbm>>
      tpu.enqueue_dma source(%arg7 : memref<10000xf32, #tpu.memory_space<vmem>>) target(%dma_start3A_69 : memref<10000xf32, #tpu.memory_space<hbm>>) target_semaphore(%run_scoped3A : memref<!tpu.dma_semaphore, #tpu.memory_space<semaphore_mem>>)
      %dma_wait3A_70 = tpu.memref_slice %arg4[%mul3A_2] : memref<320000xf32, #tpu.memory_space<hbm>> -> memref<10000xf32, #tpu.memory_space<hbm>>
      %dma_wait3A_71 = tpu.memref_slice %arg4[%mul3A_2] : memref<320000xf32, #tpu.memory_space<hbm>> -> memref<10000xf32, #tpu.memory_space<hbm>>
      tpu.wait_dma2 semaphore(%run_scoped3A : memref<!tpu.dma_semaphore, #tpu.memory_space<semaphore_mem>>) src(%arg7 : memref<10000xf32, #tpu.memory_space<vmem>>) dst(%dma_wait3A_71 : memref<10000xf32, #tpu.memory_space<hbm>>)
      tpu.yield
    }) : () -> ()
    return
  }
}

module attributes {stable_mosaic.version = 14 : i64} {
  func.func @rowsum_stream(%arg0: memref<10000x128xf32, #tpu.memory_space<hbm>>, %arg1: memref<80x128xf32, #tpu.memory_space<vmem>>, %arg2: memref<1024x128xf32, #tpu.memory_space<vmem>>, %arg3: memref<1024x128xf32, #tpu.memory_space<vmem>>, %arg4: memref<1024x128xf32, #tpu.memory_space<vmem>>, %arg5: memref<1024x128xf32, #tpu.memory_space<vmem>>, %arg6: memref<1024x128xf32, #tpu.memory_space<vmem>>, %arg7: memref<1024x128xf32, #tpu.memory_space<vmem>>, %arg8: memref<!tpu.dma_semaphore, #tpu.memory_space<semaphore_mem>>, %arg9: memref<!tpu.dma_semaphore, #tpu.memory_space<semaphore_mem>>, %arg10: memref<!tpu.dma_semaphore, #tpu.memory_space<semaphore_mem>>, %arg11: memref<!tpu.dma_semaphore, #tpu.memory_space<semaphore_mem>>, %arg12: memref<!tpu.dma_semaphore, #tpu.memory_space<semaphore_mem>>, %arg13: memref<!tpu.dma_semaphore, #tpu.memory_space<semaphore_mem>>) attributes {dimension_semantics = [], scalar_prefetch = 0 : i64, scratch_operands = 12 : i64, tpu.core_type = #tpu.core_type<tc>} {
    %dma_start3A = arith.constant 0 : i32
    %dma_start3A_0 = arith.constant 0 : i32
    %dma_start3A_1 = tpu.memref_slice %arg0[%dma_start3A, %dma_start3A_0] : memref<10000x128xf32, #tpu.memory_space<hbm>> -> memref<1024x128xf32, #tpu.memory_space<hbm>>
    tpu.enqueue_dma source(%dma_start3A_1 : memref<1024x128xf32, #tpu.memory_space<hbm>>) target(%arg2 : memref<1024x128xf32, #tpu.memory_space<vmem>>) target_semaphore(%arg8 : memref<!tpu.dma_semaphore, #tpu.memory_space<semaphore_mem>>)
    %dma_start3A_2 = arith.constant 1024 : i32
    %dma_start3A_3 = arith.constant 0 : i32
    %dma_start3A_4 = tpu.memref_slice %arg0[%dma_start3A_2, %dma_start3A_3] : memref<10000x128xf32, #tpu.memory_space<hbm>> -> memref<1024x128xf32, #tpu.memory_space<hbm>>
    tpu.enqueue_dma source(%dma_start3A_4 : memref<1024x128xf32, #tpu.memory_space<hbm>>) target(%arg3 : memref<1024x128xf32, #tpu.memory_space<vmem>>) target_semaphore(%arg9 : memref<!tpu.dma_semaphore, #tpu.memory_space<semaphore_mem>>)
    %dma_start3A_5 = arith.constant 2048 : i32
    %dma_start3A_6 = arith.constant 0 : i32
    %dma_start3A_7 = tpu.memref_slice %arg0[%dma_start3A_5, %dma_start3A_6] : memref<10000x128xf32, #tpu.memory_space<hbm>> -> memref<1024x128xf32, #tpu.memory_space<hbm>>
    tpu.enqueue_dma source(%dma_start3A_7 : memref<1024x128xf32, #tpu.memory_space<hbm>>) target(%arg4 : memref<1024x128xf32, #tpu.memory_space<vmem>>) target_semaphore(%arg10 : memref<!tpu.dma_semaphore, #tpu.memory_space<semaphore_mem>>)
    %dma_start3A_8 = arith.constant 3072 : i32
    %dma_start3A_9 = arith.constant 0 : i32
    %dma_start3A_10 = tpu.memref_slice %arg0[%dma_start3A_8, %dma_start3A_9] : memref<10000x128xf32, #tpu.memory_space<hbm>> -> memref<1024x128xf32, #tpu.memory_space<hbm>>
    tpu.enqueue_dma source(%dma_start3A_10 : memref<1024x128xf32, #tpu.memory_space<hbm>>) target(%arg5 : memref<1024x128xf32, #tpu.memory_space<vmem>>) target_semaphore(%arg11 : memref<!tpu.dma_semaphore, #tpu.memory_space<semaphore_mem>>)
    %dma_start3A_11 = arith.constant 4096 : i32
    %dma_start3A_12 = arith.constant 0 : i32
    %dma_start3A_13 = tpu.memref_slice %arg0[%dma_start3A_11, %dma_start3A_12] : memref<10000x128xf32, #tpu.memory_space<hbm>> -> memref<1024x128xf32, #tpu.memory_space<hbm>>
    tpu.enqueue_dma source(%dma_start3A_13 : memref<1024x128xf32, #tpu.memory_space<hbm>>) target(%arg6 : memref<1024x128xf32, #tpu.memory_space<vmem>>) target_semaphore(%arg12 : memref<!tpu.dma_semaphore, #tpu.memory_space<semaphore_mem>>)
    %dma_start3A_14 = arith.constant 5120 : i32
    %dma_start3A_15 = arith.constant 0 : i32
    %dma_start3A_16 = tpu.memref_slice %arg0[%dma_start3A_14, %dma_start3A_15] : memref<10000x128xf32, #tpu.memory_space<hbm>> -> memref<1024x128xf32, #tpu.memory_space<hbm>>
    tpu.enqueue_dma source(%dma_start3A_16 : memref<1024x128xf32, #tpu.memory_space<hbm>>) target(%arg7 : memref<1024x128xf32, #tpu.memory_space<vmem>>) target_semaphore(%arg13 : memref<!tpu.dma_semaphore, #tpu.memory_space<semaphore_mem>>)
    %dma_wait3A = arith.constant 0 : i32
    %dma_wait3A_17 = arith.constant 0 : i32
    %dma_wait3A_18 = tpu.memref_slice %arg0[%dma_wait3A, %dma_wait3A_17] : memref<10000x128xf32, #tpu.memory_space<hbm>> -> memref<1024x128xf32, #tpu.memory_space<hbm>>
    tpu.wait_dma2 semaphore(%arg8 : memref<!tpu.dma_semaphore, #tpu.memory_space<semaphore_mem>>) src(%dma_wait3A_18 : memref<1024x128xf32, #tpu.memory_space<hbm>>) dst(%arg2 : memref<1024x128xf32, #tpu.memory_space<vmem>>)
    %get3A = arith.constant 0 : index
    %get3A_19 = arith.constant 0 : index
    %get3A_20 = vector.load %arg2[%get3A, %get3A_19] : memref<1024x128xf32, #tpu.memory_space<vmem>>, vector<1024x128xf32>
    %reduce_sum3A = arith.constant dense<0.000000e+00> : vector<1024xf32>
    %reduce_sum3A_21 = vector.multi_reduction <add>, %get3A_20, %reduce_sum3A [1] : vector<1024x128xf32> to vector<1024xf32>
    %reshape3A = vector.shape_cast %reduce_sum3A_21 : vector<1024xf32> to vector<8x128xf32>
    %swap3A = arith.constant 0 : index
    %swap3A_22 = arith.constant 0 : index
    %swap3A_23 = vector.load %arg1[%swap3A, %swap3A_22] : memref<80x128xf32, #tpu.memory_space<vmem>>, vector<8x128xf32>
    tpu.vector_store %arg1[%swap3A, %swap3A_22], %reshape3A {strides = array<i32>} : memref<80x128xf32, #tpu.memory_space<vmem>>, vector<8x128xf32>,
    %dma_start3A_24 = arith.constant 6144 : i32
    %dma_start3A_25 = arith.constant 0 : i32
    %dma_start3A_26 = tpu.memref_slice %arg0[%dma_start3A_24, %dma_start3A_25] : memref<10000x128xf32, #tpu.memory_space<hbm>> -> memref<1024x128xf32, #tpu.memory_space<hbm>>
    tpu.enqueue_dma source(%dma_start3A_26 : memref<1024x128xf32, #tpu.memory_space<hbm>>) target(%arg2 : memref<1024x128xf32, #tpu.memory_space<vmem>>) target_semaphore(%arg8 : memref<!tpu.dma_semaphore, #tpu.memory_space<semaphore_mem>>)
    %dma_wait3A_27 = arith.constant 1024 : i32
    %dma_wait3A_28 = arith.constant 0 : i32
    %dma_wait3A_29 = tpu.memref_slice %arg0[%dma_wait3A_27, %dma_wait3A_28] : memref<10000x128xf32, #tpu.memory_space<hbm>> -> memref<1024x128xf32, #tpu.memory_space<hbm>>
    tpu.wait_dma2 semaphore(%arg9 : memref<!tpu.dma_semaphore, #tpu.memory_space<semaphore_mem>>) src(%dma_wait3A_29 : memref<1024x128xf32, #tpu.memory_space<hbm>>) dst(%arg3 : memref<1024x128xf32, #tpu.memory_space<vmem>>)
    %get3A_30 = arith.constant 0 : index
    %get3A_31 = arith.constant 0 : index
    %get3A_32 = vector.load %arg3[%get3A_30, %get3A_31] : memref<1024x128xf32, #tpu.memory_space<vmem>>, vector<1024x128xf32>
    %reduce_sum3A_33 = arith.constant dense<0.000000e+00> : vector<1024xf32>
    %reduce_sum3A_34 = vector.multi_reduction <add>, %get3A_32, %reduce_sum3A_33 [1] : vector<1024x128xf32> to vector<1024xf32>
    %reshape3A_35 = vector.shape_cast %reduce_sum3A_34 : vector<1024xf32> to vector<8x128xf32>
    %swap3A_36 = arith.constant 8 : index
    %swap3A_37 = arith.constant 0 : index
    %swap3A_38 = vector.load %arg1[%swap3A_36, %swap3A_37] : memref<80x128xf32, #tpu.memory_space<vmem>>, vector<8x128xf32>
    tpu.vector_store %arg1[%swap3A_36, %swap3A_37], %reshape3A_35 {strides = array<i32>} : memref<80x128xf32, #tpu.memory_space<vmem>>, vector<8x128xf32>,
    %dma_start3A_39 = arith.constant 7168 : i32
    %dma_start3A_40 = arith.constant 0 : i32
    %dma_start3A_41 = tpu.memref_slice %arg0[%dma_start3A_39, %dma_start3A_40] : memref<10000x128xf32, #tpu.memory_space<hbm>> -> memref<1024x128xf32, #tpu.memory_space<hbm>>
    tpu.enqueue_dma source(%dma_start3A_41 : memref<1024x128xf32, #tpu.memory_space<hbm>>) target(%arg3 : memref<1024x128xf32, #tpu.memory_space<vmem>>) target_semaphore(%arg9 : memref<!tpu.dma_semaphore, #tpu.memory_space<semaphore_mem>>)
    %dma_wait3A_42 = arith.constant 2048 : i32
    %dma_wait3A_43 = arith.constant 0 : i32
    %dma_wait3A_44 = tpu.memref_slice %arg0[%dma_wait3A_42, %dma_wait3A_43] : memref<10000x128xf32, #tpu.memory_space<hbm>> -> memref<1024x128xf32, #tpu.memory_space<hbm>>
    tpu.wait_dma2 semaphore(%arg10 : memref<!tpu.dma_semaphore, #tpu.memory_space<semaphore_mem>>) src(%dma_wait3A_44 : memref<1024x128xf32, #tpu.memory_space<hbm>>) dst(%arg4 : memref<1024x128xf32, #tpu.memory_space<vmem>>)
    %get3A_45 = arith.constant 0 : index
    %get3A_46 = arith.constant 0 : index
    %get3A_47 = vector.load %arg4[%get3A_45, %get3A_46] : memref<1024x128xf32, #tpu.memory_space<vmem>>, vector<1024x128xf32>
    %reduce_sum3A_48 = arith.constant dense<0.000000e+00> : vector<1024xf32>
    %reduce_sum3A_49 = vector.multi_reduction <add>, %get3A_47, %reduce_sum3A_48 [1] : vector<1024x128xf32> to vector<1024xf32>
    %reshape3A_50 = vector.shape_cast %reduce_sum3A_49 : vector<1024xf32> to vector<8x128xf32>
    %swap3A_51 = arith.constant 16 : index
    %swap3A_52 = arith.constant 0 : index
    %swap3A_53 = vector.load %arg1[%swap3A_51, %swap3A_52] : memref<80x128xf32, #tpu.memory_space<vmem>>, vector<8x128xf32>
    tpu.vector_store %arg1[%swap3A_51, %swap3A_52], %reshape3A_50 {strides = array<i32>} : memref<80x128xf32, #tpu.memory_space<vmem>>, vector<8x128xf32>,
    %dma_start3A_54 = arith.constant 8192 : i32
    %dma_start3A_55 = arith.constant 0 : i32
    %dma_start3A_56 = tpu.memref_slice %arg0[%dma_start3A_54, %dma_start3A_55] : memref<10000x128xf32, #tpu.memory_space<hbm>> -> memref<1024x128xf32, #tpu.memory_space<hbm>>
    tpu.enqueue_dma source(%dma_start3A_56 : memref<1024x128xf32, #tpu.memory_space<hbm>>) target(%arg4 : memref<1024x128xf32, #tpu.memory_space<vmem>>) target_semaphore(%arg10 : memref<!tpu.dma_semaphore, #tpu.memory_space<semaphore_mem>>)
    %dma_wait3A_57 = arith.constant 3072 : i32
    %dma_wait3A_58 = arith.constant 0 : i32
    %dma_wait3A_59 = tpu.memref_slice %arg0[%dma_wait3A_57, %dma_wait3A_58] : memref<10000x128xf32, #tpu.memory_space<hbm>> -> memref<1024x128xf32, #tpu.memory_space<hbm>>
    tpu.wait_dma2 semaphore(%arg11 : memref<!tpu.dma_semaphore, #tpu.memory_space<semaphore_mem>>) src(%dma_wait3A_59 : memref<1024x128xf32, #tpu.memory_space<hbm>>) dst(%arg5 : memref<1024x128xf32, #tpu.memory_space<vmem>>)
    %get3A_60 = arith.constant 0 : index
    %get3A_61 = arith.constant 0 : index
    %get3A_62 = vector.load %arg5[%get3A_60, %get3A_61] : memref<1024x128xf32, #tpu.memory_space<vmem>>, vector<1024x128xf32>
    %reduce_sum3A_63 = arith.constant dense<0.000000e+00> : vector<1024xf32>
    %reduce_sum3A_64 = vector.multi_reduction <add>, %get3A_62, %reduce_sum3A_63 [1] : vector<1024x128xf32> to vector<1024xf32>
    %reshape3A_65 = vector.shape_cast %reduce_sum3A_64 : vector<1024xf32> to vector<8x128xf32>
    %swap3A_66 = arith.constant 24 : index
    %swap3A_67 = arith.constant 0 : index
    %swap3A_68 = vector.load %arg1[%swap3A_66, %swap3A_67] : memref<80x128xf32, #tpu.memory_space<vmem>>, vector<8x128xf32>
    tpu.vector_store %arg1[%swap3A_66, %swap3A_67], %reshape3A_65 {strides = array<i32>} : memref<80x128xf32, #tpu.memory_space<vmem>>, vector<8x128xf32>,
    %dma_start3A_69 = arith.constant 0 : i32
    %dma_start3A_70 = arith.constant 0 : i32
    %dma_start3A_71 = tpu.memref_slice %arg5[%dma_start3A_69, %dma_start3A_70] : memref<1024x128xf32, #tpu.memory_space<vmem>> -> memref<784x128xf32, #tpu.memory_space<vmem>>
    %dma_start3A_72 = arith.constant 9216 : i32
    %dma_start3A_73 = arith.constant 0 : i32
    %dma_start3A_74 = tpu.memref_slice %arg0[%dma_start3A_72, %dma_start3A_73] : memref<10000x128xf32, #tpu.memory_space<hbm>> -> memref<784x128xf32, #tpu.memory_space<hbm>>
    tpu.enqueue_dma source(%dma_start3A_74 : memref<784x128xf32, #tpu.memory_space<hbm>>) target(%dma_start3A_71 : memref<784x128xf32, #tpu.memory_space<vmem>>) target_semaphore(%arg11 : memref<!tpu.dma_semaphore, #tpu.memory_space<semaphore_mem>>)
    %dma_wait3A_75 = arith.constant 4096 : i32
    %dma_wait3A_76 = arith.constant 0 : i32
    %dma_wait3A_77 = tpu.memref_slice %arg0[%dma_wait3A_75, %dma_wait3A_76] : memref<10000x128xf32, #tpu.memory_space<hbm>> -> memref<1024x128xf32, #tpu.memory_space<hbm>>
    tpu.wait_dma2 semaphore(%arg12 : memref<!tpu.dma_semaphore, #tpu.memory_space<semaphore_mem>>) src(%dma_wait3A_77 : memref<1024x128xf32, #tpu.memory_space<hbm>>) dst(%arg6 : memref<1024x128xf32, #tpu.memory_space<vmem>>)
    %get3A_78 = arith.constant 0 : index
    %get3A_79 = arith.constant 0 : index
    %get3A_80 = vector.load %arg6[%get3A_78, %get3A_79] : memref<1024x128xf32, #tpu.memory_space<vmem>>, vector<1024x128xf32>
    %reduce_sum3A_81 = arith.constant dense<0.000000e+00> : vector<1024xf32>
    %reduce_sum3A_82 = vector.multi_reduction <add>, %get3A_80, %reduce_sum3A_81 [1] : vector<1024x128xf32> to vector<1024xf32>
    %reshape3A_83 = vector.shape_cast %reduce_sum3A_82 : vector<1024xf32> to vector<8x128xf32>
    %swap3A_84 = arith.constant 32 : index
    %swap3A_85 = arith.constant 0 : index
    %swap3A_86 = vector.load %arg1[%swap3A_84, %swap3A_85] : memref<80x128xf32, #tpu.memory_space<vmem>>, vector<8x128xf32>
    tpu.vector_store %arg1[%swap3A_84, %swap3A_85], %reshape3A_83 {strides = array<i32>} : memref<80x128xf32, #tpu.memory_space<vmem>>, vector<8x128xf32>,
    %dma_wait3A_87 = arith.constant 5120 : i32
    %dma_wait3A_88 = arith.constant 0 : i32
    %dma_wait3A_89 = tpu.memref_slice %arg0[%dma_wait3A_87, %dma_wait3A_88] : memref<10000x128xf32, #tpu.memory_space<hbm>> -> memref<1024x128xf32, #tpu.memory_space<hbm>>
    tpu.wait_dma2 semaphore(%arg13 : memref<!tpu.dma_semaphore, #tpu.memory_space<semaphore_mem>>) src(%dma_wait3A_89 : memref<1024x128xf32, #tpu.memory_space<hbm>>) dst(%arg7 : memref<1024x128xf32, #tpu.memory_space<vmem>>)
    %get3A_90 = arith.constant 0 : index
    %get3A_91 = arith.constant 0 : index
    %get3A_92 = vector.load %arg7[%get3A_90, %get3A_91] : memref<1024x128xf32, #tpu.memory_space<vmem>>, vector<1024x128xf32>
    %reduce_sum3A_93 = arith.constant dense<0.000000e+00> : vector<1024xf32>
    %reduce_sum3A_94 = vector.multi_reduction <add>, %get3A_92, %reduce_sum3A_93 [1] : vector<1024x128xf32> to vector<1024xf32>
    %reshape3A_95 = vector.shape_cast %reduce_sum3A_94 : vector<1024xf32> to vector<8x128xf32>
    %swap3A_96 = arith.constant 40 : index
    %swap3A_97 = arith.constant 0 : index
    %swap3A_98 = vector.load %arg1[%swap3A_96, %swap3A_97] : memref<80x128xf32, #tpu.memory_space<vmem>>, vector<8x128xf32>
    tpu.vector_store %arg1[%swap3A_96, %swap3A_97], %reshape3A_95 {strides = array<i32>} : memref<80x128xf32, #tpu.memory_space<vmem>>, vector<8x128xf32>,
    %dma_wait3A_99 = arith.constant 6144 : i32
    %dma_wait3A_100 = arith.constant 0 : i32
    %dma_wait3A_101 = tpu.memref_slice %arg0[%dma_wait3A_99, %dma_wait3A_100] : memref<10000x128xf32, #tpu.memory_space<hbm>> -> memref<1024x128xf32, #tpu.memory_space<hbm>>
    tpu.wait_dma2 semaphore(%arg8 : memref<!tpu.dma_semaphore, #tpu.memory_space<semaphore_mem>>) src(%dma_wait3A_101 : memref<1024x128xf32, #tpu.memory_space<hbm>>) dst(%arg2 : memref<1024x128xf32, #tpu.memory_space<vmem>>)
    %get3A_102 = arith.constant 0 : index
    %get3A_103 = arith.constant 0 : index
    %get3A_104 = vector.load %arg2[%get3A_102, %get3A_103] : memref<1024x128xf32, #tpu.memory_space<vmem>>, vector<1024x128xf32>
    %reduce_sum3A_105 = arith.constant dense<0.000000e+00> : vector<1024xf32>
    %reduce_sum3A_106 = vector.multi_reduction <add>, %get3A_104, %reduce_sum3A_105 [1] : vector<1024x128xf32> to vector<1024xf32>
    %reshape3A_107 = vector.shape_cast %reduce_sum3A_106 : vector<1024xf32> to vector<8x128xf32>
    %swap3A_108 = arith.constant 48 : index
    %swap3A_109 = arith.constant 0 : index
    %swap3A_110 = vector.load %arg1[%swap3A_108, %swap3A_109] : memref<80x128xf32, #tpu.memory_space<vmem>>, vector<8x128xf32>
    tpu.vector_store %arg1[%swap3A_108, %swap3A_109], %reshape3A_107 {strides = array<i32>} : memref<80x128xf32, #tpu.memory_space<vmem>>, vector<8x128xf32>,
    %dma_wait3A_111 = arith.constant 7168 : i32
    %dma_wait3A_112 = arith.constant 0 : i32
    %dma_wait3A_113 = tpu.memref_slice %arg0[%dma_wait3A_111, %dma_wait3A_112] : memref<10000x128xf32, #tpu.memory_space<hbm>> -> memref<1024x128xf32, #tpu.memory_space<hbm>>
    tpu.wait_dma2 semaphore(%arg9 : memref<!tpu.dma_semaphore, #tpu.memory_space<semaphore_mem>>) src(%dma_wait3A_113 : memref<1024x128xf32, #tpu.memory_space<hbm>>) dst(%arg3 : memref<1024x128xf32, #tpu.memory_space<vmem>>)
    %get3A_114 = arith.constant 0 : index
    %get3A_115 = arith.constant 0 : index
    %get3A_116 = vector.load %arg3[%get3A_114, %get3A_115] : memref<1024x128xf32, #tpu.memory_space<vmem>>, vector<1024x128xf32>
    %reduce_sum3A_117 = arith.constant dense<0.000000e+00> : vector<1024xf32>
    %reduce_sum3A_118 = vector.multi_reduction <add>, %get3A_116, %reduce_sum3A_117 [1] : vector<1024x128xf32> to vector<1024xf32>
    %reshape3A_119 = vector.shape_cast %reduce_sum3A_118 : vector<1024xf32> to vector<8x128xf32>
    %swap3A_120 = arith.constant 56 : index
    %swap3A_121 = arith.constant 0 : index
    %swap3A_122 = vector.load %arg1[%swap3A_120, %swap3A_121] : memref<80x128xf32, #tpu.memory_space<vmem>>, vector<8x128xf32>
    tpu.vector_store %arg1[%swap3A_120, %swap3A_121], %reshape3A_119 {strides = array<i32>} : memref<80x128xf32, #tpu.memory_space<vmem>>, vector<8x128xf32>,
    %dma_wait3A_123 = arith.constant 8192 : i32
    %dma_wait3A_124 = arith.constant 0 : i32
    %dma_wait3A_125 = tpu.memref_slice %arg0[%dma_wait3A_123, %dma_wait3A_124] : memref<10000x128xf32, #tpu.memory_space<hbm>> -> memref<1024x128xf32, #tpu.memory_space<hbm>>
    tpu.wait_dma2 semaphore(%arg10 : memref<!tpu.dma_semaphore, #tpu.memory_space<semaphore_mem>>) src(%dma_wait3A_125 : memref<1024x128xf32, #tpu.memory_space<hbm>>) dst(%arg4 : memref<1024x128xf32, #tpu.memory_space<vmem>>)
    %get3A_126 = arith.constant 0 : index
    %get3A_127 = arith.constant 0 : index
    %get3A_128 = vector.load %arg4[%get3A_126, %get3A_127] : memref<1024x128xf32, #tpu.memory_space<vmem>>, vector<1024x128xf32>
    %reduce_sum3A_129 = arith.constant dense<0.000000e+00> : vector<1024xf32>
    %reduce_sum3A_130 = vector.multi_reduction <add>, %get3A_128, %reduce_sum3A_129 [1] : vector<1024x128xf32> to vector<1024xf32>
    %reshape3A_131 = vector.shape_cast %reduce_sum3A_130 : vector<1024xf32> to vector<8x128xf32>
    %swap3A_132 = arith.constant 64 : index
    %swap3A_133 = arith.constant 0 : index
    %swap3A_134 = vector.load %arg1[%swap3A_132, %swap3A_133] : memref<80x128xf32, #tpu.memory_space<vmem>>, vector<8x128xf32>
    tpu.vector_store %arg1[%swap3A_132, %swap3A_133], %reshape3A_131 {strides = array<i32>} : memref<80x128xf32, #tpu.memory_space<vmem>>, vector<8x128xf32>,
    %dma_wait3A_135 = arith.constant 0 : i32
    %dma_wait3A_136 = arith.constant 0 : i32
    %dma_wait3A_137 = tpu.memref_slice %arg5[%dma_wait3A_135, %dma_wait3A_136] : memref<1024x128xf32, #tpu.memory_space<vmem>> -> memref<784x128xf32, #tpu.memory_space<vmem>>
    %dma_wait3A_138 = arith.constant 9216 : i32
    %dma_wait3A_139 = arith.constant 0 : i32
    %dma_wait3A_140 = tpu.memref_slice %arg0[%dma_wait3A_138, %dma_wait3A_139] : memref<10000x128xf32, #tpu.memory_space<hbm>> -> memref<784x128xf32, #tpu.memory_space<hbm>>
    tpu.wait_dma2 semaphore(%arg11 : memref<!tpu.dma_semaphore, #tpu.memory_space<semaphore_mem>>) src(%dma_wait3A_140 : memref<784x128xf32, #tpu.memory_space<hbm>>) dst(%dma_wait3A_137 : memref<784x128xf32, #tpu.memory_space<vmem>>)
    %get3A_141 = arith.constant 0 : index
    %get3A_142 = arith.constant 0 : index
    %get3A_143 = vector.load %arg5[%get3A_141, %get3A_142] : memref<1024x128xf32, #tpu.memory_space<vmem>>, vector<1024x128xf32>
    %reduce_sum3A_144 = arith.constant dense<0.000000e+00> : vector<1024xf32>
    %reduce_sum3A_145 = vector.multi_reduction <add>, %get3A_143, %reduce_sum3A_144 [1] : vector<1024x128xf32> to vector<1024xf32>
    %reshape3A_146 = vector.shape_cast %reduce_sum3A_145 : vector<1024xf32> to vector<8x128xf32>
    %swap3A_147 = arith.constant 72 : index
    %swap3A_148 = arith.constant 0 : index
    %swap3A_149 = vector.load %arg1[%swap3A_147, %swap3A_148] : memref<80x128xf32, #tpu.memory_space<vmem>>, vector<8x128xf32>
    tpu.vector_store %arg1[%swap3A_147, %swap3A_148], %reshape3A_146 {strides = array<i32>} : memref<80x128xf32, #tpu.memory_space<vmem>>, vector<8x128xf32>,
    return
  }
}

</mosaic_0001>

<sc_bundles>
// kernel: kernel.3.cloned.1.call-start
scs
__scs_entry_jumppad:
0x0: {  	(pc) =	sbr.rel $0x88, $3  }
0x1: {  	(tag) =	ssettag $0x0;
	lr =	simm.s32 $0x1  }
0x2: {  	[smem:$0x3F9F] =	sst lr;
	_ =	strace $0xD0000000  }
0x3: {  	_ = 	snop  }
0x4: {  	_ = 	snop  }
0x5: {  	_ = 	snop  }
0x6: {  	_ = 	snop  }
0x7: {  	_ = 	snop  }
__scs_overlays_trampoline_lowered:
0x8: {  	[smem:$0x3FAE] =	sst s0  }
0x9: {  	[smem:$0x3FAF] =	sst s1  }
0xa: {  	[smem:$0x3FB0] =	sst s2  }
0xb: {  	[smem:$0x3FB1] =	sst s3  }
0xc: {  	[smem:$0x3FB2] =	sst s4  }
0xd: {  	[smem:$0x3FB3] =	sst s5  }
0xe: {  	[smem:$0x3FB4] =	sst s6  }
0xf: {  	[smem:$0x3FB5] =	sst s7  }
0x10: {  	[smem:$0x3FB6] =	sst s8  }
0x11: {  	[smem:$0x3FB7] =	sst s9;
	s0 =	simm.s32 @!p0 $0x0  }
0x12: {  	s1 =	sld [smem:$0x3F9D];
	s0 =	simm.s32 @p0 $0x1  }
0x13: {  	[smem:$0x3FB8] =	sst s0;
	s0 =	simm.s32 @!p1 $0x0  }
0x14: {  	s2 =	sld [smem:$0x3F9C];
	s0 =	simm.s32 @p1 $0x1  }
0x15: {  	[smem:$0x3FB9] =	sst s0;
	s0 =	simm.s32 @!p2 $0x0  }
0x16: {  	s3 =	sld [smem:$0x3FDB];
	s0 =	simm.s32 @p2 $0x1  }
0x17: {  	s4 =	simm.s32 $0x1BF5;
	[smem:$0x3FBB] =	sst s0  }
0x18: {  	s0 =	sld [smem:$0x3F9E];
	_ =	swait.ge [sflag:s4], $0x0  }
0x19: {  	s7 =	sld [smem:$0x3F9F]  }
0x1a: {  	s8 =	sadd.s32 $0xFFFFE003, lr  }
0x1b: {  	s9 =	sadd.s32 $0xFFFFFEF7, lr;
	s5 =	simm.s32 $0xFFFFFFFF;
	p2 =	slt.u32 s8, $0xFFFFF086  }
0x1c: {  	p1 =	slt.u32 s9, $0xF7A;
	s5 =	simm.s32 @!p2 $0x0  }
0x1d: {  	s5 =	simm.s32 @p1 $0x1;
	p0 =	seq.s32 s7, s2  }
0x1e: {  	s7 =	smul.u32 @!p0 $0xF7A, s2;
	p2 =	seq.s32 @!p0 s5, $0x0  }
0x1f: {  	s9 =	smul.u32 $0xF7A, s1;
	s8 =	simm.s32 @!p0 $0x1BF5;
	p2 =	por !p2, p0  }
0x20: {  	[sflag:s8] =	ssyncset.s32 @!p0 $0xFFFFF086;
	s6 =	sadd.s32 @!p0 s3, s7;
	s7 =	simm.s32 @!p0 $0x108  }
0x21: {  	s3 =	sadd.s32 s3, s9;
	s6 =	sadd.s32 @!p0 $0x88, s6;
	s7 =	simm.s32 @p2 $0x1082  }
0x22: {  	[simem:s7], [sflag:s8] =	dma.local @!p0 [hbm:s6], $0xF7A  }
0x23: {  	s9 =	sor.u32 $0xD0000000, s2;
	s6 =	simm.s32 $0x108;
	_ =	swait.ge @!p0 [sflag:s8], $0x0  }
0x24: {  	s3 =	sadd.s32 $0x88, s3;
	s6 =	simm.s32 @!p1 $0x1082;
	[sflag:s4] =	ssyncset.s32 $0xFFFFF086  }
0x25: {  	[simem:s6], [sflag:s4] =	dma.local [hbm:s3], $0xF7A  }
0x26: {  	[smem:$0x3F9F] =	sst s1;
	(tag) =	ssettag s2;
	_ =	strace s9  }
0x27: {  	s1 =	sld [smem:$0x3FAF]  }
0x28: {  	s2 =	sld [smem:$0x3FB0]  }
0x29: {  	s4 =	sld [smem:$0x3FB2]  }
0x2a: {  	p0 =	seq.s32 s5, $0x0;
	s5 =	sld [smem:$0x3FB3]  }
0x2b: {  	s6 =	sld [smem:$0x3FB4]  }
0x2c: {  	s7 =	sld [smem:$0x3FB5]  }
0x2d: {  	s3 =	simm.s32 $0x108;
	s8 =	sld [smem:$0x3FB6]  }
0x2e: {  	s3 =	simm.s32 @!p0 $0x1082;
	s9 =	sld [smem:$0x3FB7]  }
0x2f: {  	lr =	sadd.s32 s0, s3;
	s0 =	sld [smem:$0x3FAE]  }
0x30: {  	s3 =	sld [smem:$0x3FB1]  }
0x31: {  	[smem:$0x3FBA] =	sst s10  }
0x32: {  	s10 =	sld [smem:$0x3FB8];
	_ =	sdelay $0x3  }
0x33: {  	p0 =	seq.s32 s10, $0x1;
	s10 =	sld [smem:$0x3FBA];
	_ =	sdelay $0x3  }
0x34: {  	[smem:$0x3FBA] =	sst s10  }
0x35: {  	s10 =	sld [smem:$0x3FB9];
	_ =	sdelay $0x3  }
0x36: {  	p1 =	seq.s32 s10, $0x1;
	s10 =	sld [smem:$0x3FBA];
	_ =	sdelay $0x3  }
0x37: {  	[smem:$0x3FBA] =	sst s10  }
0x38: {  	s10 =	sld [smem:$0x3FBB]  }
0x39: {  	_ = 	snop;
	(pc) =	sbr.ind lr, $3  }
0x3a: {  	_ = 	snop  }
0x3b: {  	_ = 	snop  }
0x3c: {  	p2 =	seq.s32 s10, $0x1;
	s10 =	sld [smem:$0x3FBA]  }
0x3d: {  	_ =	shalt  }
0x3e: {  	_ =	shalt  }
0x3f: {  	_ =	shalt  }
0x40: {  	_ =	shalt  }
0x41: {  	_ =	shalt  }
0x42: {  	_ =	shalt  }
0x43: {  	_ =	shalt  }
0x44: {  	_ =	shalt  }
0x45: {  	_ =	shalt  }
0x46: {  	_ =	shalt  }
0x47: {  	_ =	shalt  }
0x48: {  	_ =	shalt  }
0x49: {  	_ =	shalt  }
0x4a: {  	_ =	shalt  }
0x4b: {  	_ =	shalt  }
0x4c: {  	_ =	shalt  }
0x4d: {  	_ =	shalt  }
0x4e: {  	_ =	shalt  }
0x4f: {  	_ =	shalt  }
0x50: {  	_ =	shalt  }
0x51: {  	_ =	shalt  }
0x52: {  	_ =	shalt  }
0x53: {  	_ =	shalt  }
0x54: {  	_ =	shalt  }
0x55: {  	_ =	shalt  }
0x56: {  	_ =	shalt  }
0x57: {  	_ =	shalt  }
0x58: {  	_ =	shalt  }
0x59: {  	_ =	shalt  }
0x5a: {  	_ =	shalt  }
0x5b: {  	_ =	shalt  }
0x5c: {  	_ =	shalt  }
0x5d: {  	_ =	shalt  }
0x5e: {  	_ =	shalt  }
0x5f: {  	_ =	shalt  }
0x60: {  	_ =	shalt  }
0x61: {  	_ =	shalt  }
0x62: {  	_ =	shalt  }
0x63: {  	_ =	shalt  }
0x64: {  	_ =	shalt  }
0x65: {  	_ =	shalt  }
0x66: {  	_ =	shalt  }
0x67: {  	_ =	shalt  }
0x68: {  	_ =	shalt  }
0x69: {  	_ =	shalt  }
0x6a: {  	_ =	shalt  }
0x6b: {  	_ =	shalt  }
0x6c: {  	_ =	shalt  }
0x6d: {  	_ =	shalt  }
0x6e: {  	_ =	shalt  }
0x6f: {  	_ =	shalt  }
0x70: {  	_ =	shalt  }
0x71: {  	_ =	shalt  }
0x72: {  	_ =	shalt  }
0x73: {  	_ =	shalt  }
0x74: {  	_ =	shalt  }
0x75: {  	_ =	shalt  }
0x76: {  	_ =	shalt  }
0x77: {  	_ =	shalt  }
0x78: {  	_ =	shalt  }
0x79: {  	_ =	shalt  }
0x7a: {  	_ =	shalt  }
0x7b: {  	_ =	shalt  }
0x7c: {  	_ =	shalt  }
0x7d: {  	_ =	shalt  }
0x7e: {  	_ =	shalt  }
0x7f: {  	_ =	shalt  }
0x80: {  	_ =	shalt  }
0x81: {  	_ =	shalt  }
0x82: {  	_ =	shalt  }
0x83: {  	_ =	shalt  }
0x84: {  	_ =	shalt  }
0x85: {  	_ =	shalt  }
0x86: {  	_ =	shalt  }
0x87: {  	_ =	shalt  }
.Lfunc_end0:
.L_simem_size_0:
called_computation_lowered:
.L_overlay_start_0:
0x88: {  	s2 =	sld [smem:$0x3FD9]  }
0x89: {  	s3 =	sld [smem:$0x3FFE];
	_ =	sdelay $0x1  }
0x8a: {  	s1 =	srdreg.scid  }
0x8b: {  	s0 =	sand.u32 $0x1, s1  }
0x8c: {  	s17 =	sshll.u32 s0, $0xA;
	s2 =	sadd.s32 s3, s2  }
0x8d: {  	s2 =	sadd.s32 s2, s17  }
0x8e: {  	[smem:$0x3FC6] =	sst s2  }
0x8f: {  	_ = 	snop  }
0x90: {  	s2 =	sld [smem:$0x3FC8]  }
0x91: {  	s18 =	sld [smem:$0x3FD0];
	(tm) =	ssettm $0x1  }
0x92: {  	s4 =	sld [smem:$0x3FFB];
	_ =	sdelay $0x3  }
0x93: {  	_ =	strace s4  }
0x94: {  	s4 =	sld [smem:$0x3FFC];
	_ =	sdelay $0x3  }
0x95: {  	_ =	strace s4  }
0x96: {  	s4 =	sld [smem:$0x3FFD];
	_ =	sdelay $0x3  }
0x97: {  	_ =	strace s4  }
0x98: {  	_ =	strace $0x8FFFFFFF  }
0x99: {  	s19 =	sld [smem:$0x3FDB];
	_ =	sdelay $0x1  }
0x9a: {  	s5 =	simm.s32 $_scs_section_size  }
0x9b: {  	s6 =	simm.s32 $_size__tile_overlayer_lowered;
	s7 =	simm.s32 $_tile_overlayer_lowered  }
0x9c: {  	s22 =	simm.s32 $0x1BFF;
	s21 =	sshll.u32 s7, $0x1;
	s4 =	sadd.s32 s5, s19  }
0x9d: {  	s8 =	simm.s32 $0x0;
	s20 =	sshll.u32 s6, $0x1;
	s6 =	sadd.s32 s21, s4  }
0x9e: {  	[timem:s8], [sflag:s22] =	dma.local [hbm:s6], s20  }
0x9f: {  	_ =	swait.ge [sflag:s22], s20  }
0xa0: {  	s5 =	ssub.s32 $0x0, s20;
	[sflag:s22] =	ssyncset.done $0x0  }
0xa1: {  	[sflag:s22] =	ssyncadd.s32 s5;
	_ =	sdelay $0x1  }
0xa2: {  	s23 =	simm.s32 $0x1B8B  }
0xa3: {  	_ =	swait.ge [sflag:s23], $0x1  }
0xa4: {  	[sflag:s23] =	ssyncset.done $0x0  }
0xa5: {  	s25 =	simm.s32 $0x1B8E;
	s24 =	sld [smem:$0x3FFE];
	[sflag:s23] =	ssyncadd.s32 $0xFFFFFFFF  }
0xa6: {  	s26 =	simm.s32 $execute0_lowered;
	[smem:$0x3FD2] =	sst s25  }
0xa7: {  	s6 =	sshll.u32 s26, $0x1;
	_ =	strace $0x80000046;
	[dreg:$0x1] =	wrdreg $0xFFFFFFFF  }
0xa8: {  	s28 =	simm.s32 $_size_execute0_lowered;
	s4 =	sadd.s32 s4, s6;
	[dreg:$0x0] =	wrdreg $0x0  }
0xa9: {  	s6 =	sshll.u32 s28, $0x1;
	[dreg:$0x2] =	wrdreg s4  }
0xaa: {  	[dreg:$0x3] =	wrdreg s6  }
0xab: {  	[dreg:$0x4] =	wrdreg $0xC0  }
0xac: {  	_ =	task [dreg:s8], $0x5FFFF  }
0xad: {  	[dreg:$0x1] =	wrdreg $0xFFFFFFFF  }
0xae: {  	[dreg:$0x0] =	wrdreg $0x60  }
0xaf: {  	[dreg:$0x2] =	wrdreg s24  }
0xb0: {  	[dreg:$0x3] =	wrdreg s2  }
0xb1: {  	[dreg:$0x4] =	wrdreg s18  }
0xb2: {  	[dreg:$0x5] =	wrdreg $0x9  }
0xb3: {  	_ =	task.clear_ibuf [dreg:s8], $0x6FFFF;
	_ =	strace $0x90000046  }
0xb4: {  	s29 =	simm.s32 $0x9;
	_ =	strace $0x80000048  }
0xb5: {  	_ =	swait.ge [sflag:s29], $0x1  }
0xb6: {  	[sflag:s29] =	ssyncadd.s32 $0xFFFFFFFF  }
0xb7: {  	_ =	strace $0x90000048  }
0xb8: {  	_ =	sfence  }
0xb9: {  	s30 =	sld [smem:$0x0];
	_ =	sdelay $0x2  }
0xba: {  	s31 =	sshll.u32 s1, $0xD;
	s1 =	sshrl.u32 s1, $0x2  }
0xbb: {  	s3 =	sand.u32 $0x4000, s31;
	s1 =	sadd.s32 s1, s30  }
0xbc: {  	s0 =	sor.u32 s3, s0;
	s1 =	sshll.u32 s1, $0x11  }
0xbd: {  	s0 =	sor.u32 s1, s0  }
0xbe: {  	s0 =	sadd.s32 $0x8F2B, s0  }
0xbf: {  	[sflag:s0] =	ssyncadd.remote.s32 $0x1  }
0xc0: {  	_ =	sfence.sel $0xFFFF  }
0xc1: {  	[dreg:$0x0] =	wrdreg $0xFFFFFFFF;
	(pc) =	sbr.abs _section_cstart, $3  }
0xc2: {  	[dreg:$0x1] =	wrdreg $0xFFFFFFFF  }
0xc3: {  	_ =	task.clear_ibuf [dreg:s8], $0x2FFFF;
	_ =	strace $0x9FFFFFFF  }
0xc4: {  	(tm) =	ssettm $0x7FFFFFFF  }
0xc5: {  	_ =	shalt  }
tec
execute0_lowered:
.L_overlay_start_1:
0x0: {  	(tag) =	ssettag $0x1  }
0x1: {  	s3 =	rddreg [dreg:$0x0]  }
0x2: {  	s1 =	srdreg.scid;
	s4 =	rddreg [dreg:$0x1]  }
0x3: {  	s0 =	stileid.u32;
	s8 =	rddreg [dreg:$0x2]  }
0x4: {  	s2 =	simm.s32 $0x0;
	s16 =	simm.s32 $0x1;
	s17 =	simm.s32 $0x2  }
0x5: {  	s19 =	simm.s32 $0x3;
	s7 =	sand.u32 $0x1, s1;
	s28 =	smul.u32 $0x4E20, s0  }
0x6: {  	s22 =	sshll.u32 s0, $0x1;
	[smem:$0x7FF] =	sst s2;
	s30 =	smul.u32 $0x9C40, s0  }
0x7: {  	s24 =	sadd.s32 $0x600, s3;
	s5 =	sor.u32 s7, s22;
	s12 =	smul.u32 $0x2710, s7  }
0x8: {  	s23 =	ssub.s32 $0x2, s7;
	_ =	strace $0x80000047;
	s9 =	smul.u32 $0x2710, s5  }
0x9: {  	[dreg:$0x4] =	wrdreg s24;
	s7 =	smul.u32 $0x4E20, s7;
	s6 =	sshrl.u32 s23, $0x1  }
0xa: {  	s11 =	ssub.s32 s23, s6;
	s10 =	sand.u32 $0x7FF80, s9;
	s13 =	sand.u32 $0x70, s9  }
0xb: {  	s31 =	sadd.s32 s7, s30;
	s25 =	smin.u32 s10, $0x4BA00;
	s20 =	sor.u32 $0x2800, s13  }
0xc: {  	s10 =	sadd.s32 s12, s28;
	s26 =	ssub.s32 s9, s25;
	s5 =	sshrl.u32 s25, $0x2  }
0xd: {  	s9 =	sshrl.u32 s9, $0x3;
	s12 =	sand.u32 $0xFFF80, s10;
	v0 =	vmov s20;
	s20 =	simm.s32 $0x0  }
0xe: {  	s4 =	sadd.s32 s4, s5;
	s6 =	sshll.u32 s26, $0x1;
	s8 =	sadd.s32 s8, s9  }
0xf: {  	s12 =	smin.u32 s12, $0x4BA00;
	s9 =	smax.u32 s11, $0x1;
	s29 =	sadd.s32 $0x500, s4  }
0x10: {  	s6 =	sand.u32 $0xFFFFFF00, s6;
	s14 =	sshll.u32 s12, $0x1;
	s15 =	ssub.s32 s10, s12  }
0x11: {  	[dreg:$0x5] =	wrdreg s29;
	s6 =	sor.u32 s13, s6;
	s10 =	ssub.s32 s30, s14  }
0x12: {  	s11 =	sadd.s32 $0x70, s15;
	s12 =	ssub.s32 s31, s14;
	s13 =	sadd.s32 $0x1370, s15  }
.LBB2_1:
0x13: {  	s0 =	rddreg [dreg:$0x4]  }
0x14: {  	[tilespmem:s2], [sflag:$0x1] =	stream.linear.gather [hbm4b:s0+s2], $0x2800, $0x38;
	[tilespmem:$0x9F80] =	vst v63  }
0x15: {  	s23 =	simm.s32 $0x2800  }
0x16: {  	[tilespmem:s23], [sflag:$0x2] =	stream.linear.gather [hbm4b:s4+s2], $0x2800, $0x38;
	[tilespmem:$0x9F80] =	vst v63  }
0x17: {  	s24 =	rddreg [dreg:$0x5];
	s1 =	simm.s32 $0x5000  }
0x18: {  	[tilespmem:s1], [sflag:$0x1] =	stream.linear.gather [hbm4b:s24+s2], $0x2800, $0x38;
	[tilespmem:$0x9F80] =	vst v63  }
0x19: {  	_ =	swait.ge [sflag:s16], $0x2800  }
0x1a: {  	[sflag:s16] =	ssyncset.done $0x0  }
0x1b: {  	s21 =	sadd.s32 s10, s7;
	[sflag:s16] =	ssyncadd.s32 $0xFFFFD800  }
0x1c: {  	s22 =	sadd.s32 $0xE0, s21;
	_ =	swait.ge [sflag:s17], $0x2800  }
0x1d: {  	s22 =	sand.u32 $0xFFFFFF00, s22;
	s23 =	sand.u32 $0x70, s11;
	[sflag:s17] =	ssyncset.done $0x0  }
0x1e: {  	s22 =	sor.u32 s23, s22;
	[sflag:s17] =	ssyncadd.s32 $0xFFFFD800  }
0x1f: {  	s26 =	sadd.s32 $0xFFFFFFA0, s11;
	s25 =	sadd.s32 $0x20, s21;
	v1 =	vld [tilespmem:s22+$0x2800]  }
0x20: {  	s23 =	sand.u32 $0x70, s26;
	v2 =	vld [tilespmem:s22+$0x2880];
	s22 =	sand.u32 $0xFFFFFF00, s25  }
0x21: {  	s24 =	sadd.s32 $0x40, s21;
	s25 =	sadd.s32 $0xFFFFFFB0, s11;
	s22 =	sor.u32 s23, s22  }
0x22: {  	s28 =	sand.u32 $0xFFFFFF00, s24;
	s29 =	sand.u32 $0x70, s25;
	v12 =	vld [tilespmem:s22+$0x2800]  }
0x23: {  	s30 =	sadd.s32 $0x60, s21;
	s26 =	sadd.s32 $0xFFFFFFC0, s11;
	s23 =	sor.u32 s29, s28;
	v14 =	vld [tilespmem:s22+$0x2880]  }
0x24: {  	s31 =	sand.u32 $0xFFFFFF00, s30;
	s0 =	sand.u32 $0x70, s26;
	v15 =	vld [tilespmem:s23+$0x2800]  }
0x25: {  	s3 =	sadd.s32 $0xFFFFFFD0, s11;
	s1 =	sadd.s32 $0x80, s21;
	s22 =	sor.u32 s0, s31;
	v16 =	vld [tilespmem:s23+$0x2880]  }
0x26: {  	s14 =	sand.u32 $0x70, s3;
	s5 =	sand.u32 $0xFFFFFF00, s1;
	v7 =	vld [tilespmem:s22+$0x2800]  }
0x27: {  	s18 =	sadd.s32 $0xFFFFFFE0, s11;
	s15 =	sadd.s32 $0xA0, s21;
	s23 =	sor.u32 s14, s5;
	v8 =	vld [tilespmem:s22+$0x2880]  }
0x28: {  	s26 =	sand.u32 $0x70, s18;
	s25 =	sand.u32 $0xFFFFFF00, s15;
	v10 =	vld [tilespmem:s23+$0x2800]  }
0x29: {  	s22 =	sor.u32 s26, s25;
	v9 =	vld [tilespmem:s23+$0x2880]  }
0x2a: {  	v6 =	vld [tilespmem:s22+$0x2800]  }
0x2b: {  	s28 =	sadd.s32 $0xC0, s21;
	s29 =	sadd.s32 $0xFFFFFFF0, s11;
	v1 =	vld.idx.msk [tilespmem:v1+s2+$0x0], $0xffff  }
0x2c: {  	s30 =	sand.u32 $0xFFFFFF00, s28;
	s31 =	sand.u32 $0x70, s29;
	v11 =	vld.idx.msk [tilespmem:v2+s2+$0x0], $0xffff  }
0x2d: {  	s23 =	sor.u32 s31, s30;
	v5 =	vld [tilespmem:s22+$0x2880]  }
0x2e: {  	v4 =	vld [tilespmem:s23+$0x2800]  }
0x2f: {  	s21 =	sand.u32 $0xFFFFFF00, s21;
	v3 =	vld [tilespmem:s23+$0x2880]  }
0x30: {  	v2 =	vld.idx.msk [tilespmem:v0+s21+$0x0 ss:$0x1], $0xffff  }
0x31: {  	v13 =	vld.idx.msk [tilespmem:v12+s2+$0x0], $0xffff;
	v11 =	vsub.f32 v1, v11  }
0x32: {  	v14 =	vld.idx.msk [tilespmem:v14+s2+$0x0], $0xffff  }
0x33: {  	v1 =	vld.idx.msk [tilespmem:v0+s21+$0x80 ss:$0x1], $0xffff;
	v12 =	vmul.f32 $8.838834610e-02, v11  }
0x34: {  	s21 =	simm.s32 $0x7840;
	v11 =	vld.idx.msk [tilespmem:v15+s2+$0x0], $0xffff  }
0x35: {  	s24 =	smov.u32 s11;
	s22 =	simm.s32 $0x0;
	s23 =	sadd.s32 $0x100, s10;
	[tilespmem:s21+$0x30] =	vst v12;
	v12 =	vld.idx.msk [tilespmem:v16+s2+$0x0], $0xffff  }
.LBB2_2:
0x36: {  	s25 =	sadd.s32 s23, s7;
	v7 =	vld.idx.msk [tilespmem:v7+s2+$0x0], $0xffff  }
0x37: {  	s22 =	sadd.s32 $0x8, s22;
	s24 =	sadd.s32 $0x80, s24;
	s26 =	sadd.s32 $0xE0, s25;
	v8 =	vld.idx.msk [tilespmem:v8+s2+$0x0], $0xffff  }
0x38: {  	s28 =	sand.u32 $0x70, s24;
	p0 =	slt.u32 s22, $0x128;
	s26 =	sand.u32 $0xFFFFFF00, s26;
	v10 =	vld.idx.msk [tilespmem:v10+s2+$0x0], $0xffff  }
0x39: {  	s29 =	sadd.s32 $0x20, s25;
	s30 =	sadd.s32 $0x40, s25;
	v13 =	vsub.f32 v13, v14;
	s26 =	sor.u32 s28, s26;
	v9 =	vld.idx.msk [tilespmem:v9+s2+$0x0], $0xffff  }
0x3a: {  	s31 =	sadd.s32 $0x80, s25;
	s1 =	sadd.s32 $0xA0, s25;
	s28 =	sadd.s32 $0x60, s25;
	v14 =	vld [tilespmem:s26+$0x2800]  }
0x3b: {  	s0 =	sadd.s32 $0xFFFFFFA0, s24;
	s14 =	sadd.s32 $0xFFFFFFB0, s24;
	s15 =	sadd.s32 $0xC0, s25;
	v11 =	vsub.f32 v11, v12;
	v15 =	vld [tilespmem:s26+$0x2880]  }
0x3c: {  	s18 =	sadd.s32 $0xFFFFFFD0, s24;
	s3 =	sadd.s32 $0xFFFFFFE0, s24;
	v12 =	vmul.f32 $8.838834610e-02, v13;
	s26 =	sadd.s32 $0xFFFFFFC0, s24;
	v6 =	vld.idx.msk [tilespmem:v6+s2+$0x0], $0xffff  }
0x3d: {  	s5 =	sadd.s32 $0xFFFFFFF0, s24;
	s29 =	sand.u32 $0xFFFFFF00, s29;
	s30 =	sand.u32 $0xFFFFFF00, s30;
	v11 =	vmul.f32 $8.838834610e-02, v11;
	v7 =	vsub.f32 v7, v8;
	v5 =	vld.idx.msk [tilespmem:v5+s2+$0x0], $0xffff  }
0x3e: {  	s31 =	sand.u32 $0xFFFFFF00, s31;
	s1 =	sand.u32 $0xFFFFFF00, s1;
	s28 =	sand.u32 $0xFFFFFF00, s28;
	[tilespmem:s21+$0xFFFFFFD0] =	vst v12;
	v4 =	vld.idx.msk [tilespmem:v4+s2+$0x0], $0xffff  }
0x3f: {  	s0 =	sand.u32 $0x70, s0;
	s14 =	sand.u32 $0x70, s14;
	s15 =	sand.u32 $0xFFFFFF00, s15;
	v7 =	vmul.f32 $8.838834610e-02, v7;
	v8 =	vsub.f32 v10, v9;
	[tilespmem:s21+$0xFFFFFFE0] =	vst v11;
	v3 =	vld.idx.msk [tilespmem:v3+s2+$0x0], $0xffff  }
0x40: {  	s18 =	sand.u32 $0x70, s18;
	s3 =	sand.u32 $0x70, s3;
	s26 =	sand.u32 $0x70, s26;
	v2 =	vld.idx.msk [tilespmem:v2+s2+$0x0], $0xffff  }
0x41: {  	s5 =	sand.u32 $0x70, s5;
	s0 =	sor.u32 s0, s29;
	s14 =	sor.u32 s14, s30;
	v1 =	vld.idx.msk [tilespmem:v1+s2+$0x0], $0xffff;
	[tilespmem:s21+$0xFFFFFFF0] =	vst v7;
	v7 =	vmul.f32 $8.838834610e-02, v8  }
0x42: {  	s18 =	sor.u32 s18, s31;
	s1 =	sor.u32 s3, s1;
	s26 =	sor.u32 s26, s28;
	v9 =	vld.idx.msk [tilespmem:v14+s2+$0x0], $0xffff  }
0x43: {  	s3 =	sand.u32 $0xFFFFFF00, s25;
	s5 =	sor.u32 s5, s15;
	v5 =	vsub.f32 v6, v5;
	v10 =	vld.idx.msk [tilespmem:v15+s2+$0x0], $0xffff;
	[tilespmem:s21+$0x0] =	vst v7  }
0x44: {  	v11 =	vld [tilespmem:s0+$0x2800]  }
0x45: {  	v5 =	vmul.f32 $8.838834610e-02, v5;
	v3 =	vsub.f32 v4, v3;
	v12 =	vld [tilespmem:s0+$0x2880]  }
0x46: {  	v15 =	vld [tilespmem:s14+$0x2800]  }
0x47: {  	v1 =	vsub.f32 v2, v1;
	v2 =	vmul.f32 $8.838834610e-02, v3;
	v16 =	vld [tilespmem:s14+$0x2880];
	[tilespmem:s21+$0x10] =	vst v5  }
0x48: {  	v7 =	vld [tilespmem:s26+$0x2800]  }
0x49: {  	v3 =	vsub.f32 v9, v10;
	v1 =	vmul.f32 $8.838834610e-02, v1;
	v8 =	vld [tilespmem:s26+$0x2880];
	[tilespmem:s21+$0x20] =	vst v2  }
0x4a: {  	v10 =	vld [tilespmem:s18+$0x2800]  }
0x4b: {  	v2 =	vmul.f32 $8.838834610e-02, v3;
	v9 =	vld [tilespmem:s18+$0x2880];
	[tilespmem:s21+$0xFFFFFFC0] =	vst v1  }
0x4c: {  	s21 =	sadd.s32 $0x80, s21;
	v6 =	vld [tilespmem:s1+$0x2800]  }
0x4d: {  	v5 =	vld [tilespmem:s1+$0x2880];
	[tilespmem:s21+$0x30] =	vst v2  }
0x4e: {  	v4 =	vld [tilespmem:s5+$0x2800]  }
0x4f: {  	v3 =	vld [tilespmem:s5+$0x2880]  }
0x50: {  	v2 =	vld.idx.msk [tilespmem:v0+s3+$0x0 ss:$0x1], $0xffff  }
.Ltmp0:
0x51: {  	v1 =	vld.idx.msk [tilespmem:v0+s3+$0x80 ss:$0x1], $0xffff;
	(pc) =	sbr.rel @p0 .LBB2_2-.Ltmp0, $4  }
0x52: {  	v13 =	vld.idx.msk [tilespmem:v11+s2+$0x0], $0xffff  }
0x53: {  	v14 =	vld.idx.msk [tilespmem:v12+s2+$0x0], $0xffff  }
0x54: {  	v11 =	vld.idx.msk [tilespmem:v15+s2+$0x0], $0xffff  }
0x55: {  	s23 =	sadd.s32 $0x100, s23;
	v12 =	vld.idx.msk [tilespmem:v16+s2+$0x0], $0xffff  }
0x56: {  	_ =	sdelay $0x3  }
0x57: {  	v7 =	vld.idx.msk [tilespmem:v7+s2+$0x0], $0xffff  }
0x58: {  	v8 =	vld.idx.msk [tilespmem:v8+s2+$0x0], $0xffff  }
0x59: {  	v10 =	vld.idx.msk [tilespmem:v10+s2+$0x0], $0xffff  }
0x5a: {  	v9 =	vld.idx.msk [tilespmem:v9+s2+$0x0], $0xffff  }
0x5b: {  	v6 =	vld.idx.msk [tilespmem:v6+s2+$0x0], $0xffff  }
0x5c: {  	v5 =	vld.idx.msk [tilespmem:v5+s2+$0x0], $0xffff  }
0x5d: {  	v4 =	vld.idx.msk [tilespmem:v4+s2+$0x0], $0xffff  }
0x5e: {  	v3 =	vld.idx.msk [tilespmem:v3+s2+$0x0], $0xffff  }
0x5f: {  	v2 =	vld.idx.msk [tilespmem:v2+s2+$0x0], $0xffff;
	v13 =	vsub.f32 v13, v14  }
0x60: {  	v1 =	vld.idx.msk [tilespmem:v1+s2+$0x0], $0xffff;
	v11 =	vsub.f32 v11, v12  }
0x61: {  	v12 =	vmul.f32 $8.838834610e-02, v13;
	v7 =	vsub.f32 v7, v8  }
0x62: {  	v9 =	vsub.f32 v10, v9;
	v8 =	vmul.f32 $8.838834610e-02, v11  }
0x63: {  	v5 =	vsub.f32 v6, v5;
	[tilespmem:s21+$0xFFFFFFD0] =	vst v12;
	v7 =	vmul.f32 $8.838834610e-02, v7  }
0x64: {  	v3 =	vsub.f32 v4, v3;
	v6 =	vmul.f32 $8.838834610e-02, v9;
	[tilespmem:s21+$0xFFFFFFE0] =	vst v8  }
0x65: {  	v1 =	vsub.f32 v2, v1;
	v4 =	vmul.f32 $8.838834610e-02, v5;
	[tilespmem:s21+$0xFFFFFFF0] =	vst v7  }
0x66: {  	v2 =	vmul.f32 $8.838834610e-02, v3;
	[tilespmem:s21+$0x0] =	vst v6  }
0x67: {  	v1 =	vmul.f32 $8.838834610e-02, v1;
	[tilespmem:s21+$0x10] =	vst v4  }
0x68: {  	[tilespmem:s21+$0x20] =	vst v2  }
0x69: {  	[tilespmem:s21+$0xFFFFFFC0] =	vst v1  }
0x6a: {  	s0 =	sadd.s32 $0x26E0, s12;
	_ =	swait.ge [sflag:s16], $0x2800  }
0x6b: {  	s1 =	sand.u32 $0x70, s13;
	s0 =	sand.u32 $0xFFFFFF00, s0;
	[sflag:s16] =	ssyncset.done $0x0  }
0x6c: {  	s0 =	sor.u32 s1, s0;
	[sflag:s16] =	ssyncadd.s32 $0xFFFFD800  }
0x6d: {  	s26 =	sadd.s32 $0x2620, s12;
	s28 =	sadd.s32 $0xFFFFFFA0, s13;
	v1 =	vld [tilespmem:s0+$0x2800]  }
0x6e: {  	s1 =	sand.u32 $0x70, s28;
	v2 =	vld [tilespmem:s0+$0x2880];
	s0 =	sand.u32 $0xFFFFFF00, s26  }
0x6f: {  	s3 =	sadd.s32 $0xFFFFFFB0, s13;
	s5 =	sadd.s32 $0x2640, s12;
	s0 =	sor.u32 s1, s0  }
0x70: {  	s29 =	sand.u32 $0x70, s3;
	s30 =	sand.u32 $0xFFFFFF00, s5;
	v12 =	vld [tilespmem:s0+$0x2800]  }
0x71: {  	s31 =	sadd.s32 $0xFFFFFFC0, s13;
	s14 =	sadd.s32 $0x2660, s12;
	s1 =	sor.u32 s29, s30;
	v14 =	vld [tilespmem:s0+$0x2880]  }
0x72: {  	s3 =	sand.u32 $0x70, s31;
	s5 =	sand.u32 $0xFFFFFF00, s14;
	v15 =	vld [tilespmem:s1+$0x2800]  }
0x73: {  	s15 =	sadd.s32 $0x2680, s12;
	s14 =	sadd.s32 $0xFFFFFFD0, s13;
	s0 =	sor.u32 s3, s5;
	v16 =	vld [tilespmem:s1+$0x2880]  }
0x74: {  	s18 =	sand.u32 $0x70, s14;
	s21 =	sand.u32 $0xFFFFFF00, s15;
	v17 =	vld [tilespmem:s0+$0x2800]  }
0x75: {  	s22 =	sadd.s32 $0xFFFFFFE0, s13;
	s23 =	sadd.s32 $0x26A0, s12;
	s1 =	sor.u32 s18, s21;
	v7 =	vld [tilespmem:s0+$0x2880]  }
0x76: {  	s24 =	sand.u32 $0x70, s22;
	s25 =	sand.u32 $0xFFFFFF00, s23;
	v9 =	vld [tilespmem:s1+$0x2800]  }
0x77: {  	s0 =	sor.u32 s24, s25;
	v8 =	vld [tilespmem:s1+$0x2880]  }
0x78: {  	v6 =	vld [tilespmem:s0+$0x2800]  }
0x79: {  	s28 =	sadd.s32 $0x26C0, s12;
	s26 =	sadd.s32 $0xFFFFFFF0, s13;
	v5 =	vld [tilespmem:s0+$0x2880]  }
0x7a: {  	s29 =	sand.u32 $0x70, s26;
	s30 =	sand.u32 $0xFFFFFF00, s28;
	v10 =	vld.idx.msk [tilespmem:v1+s2+$0x0], $0xffff  }
0x7b: {  	s1 =	sor.u32 s29, s30;
	v11 =	vld.idx.msk [tilespmem:v2+s2+$0x0], $0xffff  }
0x7c: {  	s31 =	sadd.s32 $0x2600, s12;
	v4 =	vld [tilespmem:s1+$0x2800]  }
0x7d: {  	s0 =	sand.u32 $0xFFFFFF00, s31;
	v3 =	vld [tilespmem:s1+$0x2880]  }
0x7e: {  	v2 =	vld.idx.msk [tilespmem:v0+s0+$0x0 ss:$0x1], $0xffff  }
0x7f: {  	v1 =	vld.idx.msk [tilespmem:v0+s0+$0x80 ss:$0x1], $0xffff  }
0x80: {  	v13 =	vld.idx.msk [tilespmem:v12+s2+$0x0], $0xffff;
	v10 =	vsub.f32 v10, v11  }
0x81: {  	v14 =	vld.idx.msk [tilespmem:v14+s2+$0x0], $0xffff  }
0x82: {  	v12 =	vld.idx.msk [tilespmem:v16+s2+$0x0], $0xffff;
	v10 =	vmul.f32 $8.838834610e-02, v10  }
0x83: {  	s21 =	simm.s32 $0x8B70;
	v11 =	vld.idx.msk [tilespmem:v15+s2+$0x0], $0xffff  }
0x84: {  	s22 =	simm.s32 $0x130;
	s23 =	sadd.s32 $0x100, s12;
	s24 =	smov.u32 s13;
	[tilespmem:s21+$0x0] =	vst v10;
	v10 =	vld.idx.msk [tilespmem:v17+s2+$0x0], $0xffff  }
.LBB2_4:
0x85: {  	s0 =	sadd.s32 $0x2620, s23;
	s1 =	sadd.s32 $0x26E0, s23;
	v7 =	vld.idx.msk [tilespmem:v7+s2+$0x0], $0xffff;
	s24 =	sadd.s32 $0x80, s24  }
0x86: {  	s22 =	sadd.s32 $0x8, s22;
	s3 =	sand.u32 $0x70, s24;
	s1 =	sand.u32 $0xFFFFFF00, s1;
	v9 =	vld.idx.msk [tilespmem:v9+s2+$0x0], $0xffff  }
0x87: {  	s5 =	sadd.s32 $0xFFFFFFA0, s24;
	p0 =	slt.u32 s22, $0x268;
	v13 =	vsub.f32 v13, v14;
	s1 =	sor.u32 s3, s1;
	v8 =	vld.idx.msk [tilespmem:v8+s2+$0x0], $0xffff  }
0x88: {  	s14 =	sadd.s32 $0x2640, s23;
	s15 =	sadd.s32 $0xFFFFFFC0, s24;
	s3 =	sadd.s32 $0xFFFFFFB0, s24;
	v14 =	vld [tilespmem:s1+$0x2800]  }
0x89: {  	s18 =	sadd.s32 $0x2660, s23;
	s26 =	sadd.s32 $0x2680, s23;
	s25 =	sadd.s32 $0xFFFFFFD0, s24;
	v11 =	vsub.f32 v11, v12;
	v15 =	vld [tilespmem:s1+$0x2880]  }
0x8a: {  	s28 =	sadd.s32 $0x26A0, s23;
	s29 =	sadd.s32 $0xFFFFFFF0, s24;
	v12 =	vmul.f32 $8.838834610e-02, v13;
	s1 =	sadd.s32 $0xFFFFFFE0, s24;
	v6 =	vld.idx.msk [tilespmem:v6+s2+$0x0], $0xffff  }
0x8b: {  	s30 =	sadd.s32 $0x26C0, s23;
	s0 =	sand.u32 $0xFFFFFF00, s0;
	s5 =	sand.u32 $0x70, s5;
	v11 =	vmul.f32 $8.838834610e-02, v11;
	v7 =	vsub.f32 v10, v7;
	v5 =	vld.idx.msk [tilespmem:v5+s2+$0x0], $0xffff  }
0x8c: {  	s14 =	sand.u32 $0xFFFFFF00, s14;
	s15 =	sand.u32 $0x70, s15;
	s3 =	sand.u32 $0x70, s3;
	[tilespmem:s21+$0xFFFFFFA0] =	vst v12;
	v4 =	vld.idx.msk [tilespmem:v4+s2+$0x0], $0xffff  }
0x8d: {  	s18 =	sand.u32 $0xFFFFFF00, s18;
	s26 =	sand.u32 $0xFFFFFF00, s26;
	s25 =	sand.u32 $0x70, s25;
	v7 =	vmul.f32 $8.838834610e-02, v7;
	v8 =	vsub.f32 v9, v8;
	[tilespmem:s21+$0xFFFFFFB0] =	vst v11;
	v3 =	vld.idx.msk [tilespmem:v3+s2+$0x0], $0xffff  }
0x8e: {  	s28 =	sand.u32 $0xFFFFFF00, s28;
	s29 =	sand.u32 $0x70, s29;
	s1 =	sand.u32 $0x70, s1;
	v2 =	vld.idx.msk [tilespmem:v2+s2+$0x0], $0xffff  }
0x8f: {  	s31 =	sadd.s32 $0x2600, s23;
	s0 =	sor.u32 s5, s0;
	s5 =	sand.u32 $0xFFFFFF00, s30;
	v1 =	vld.idx.msk [tilespmem:v1+s2+$0x0], $0xffff;
	[tilespmem:s21+$0xFFFFFFC0] =	vst v7;
	v7 =	vmul.f32 $8.838834610e-02, v8  }
0x90: {  	s3 =	sor.u32 s3, s14;
	s14 =	sor.u32 s15, s18;
	s15 =	sor.u32 s25, s26;
	v8 =	vld.idx.msk [tilespmem:v14+s2+$0x0], $0xffff  }
0x91: {  	s18 =	sand.u32 $0xFFFFFF00, s31;
	s5 =	sor.u32 s29, s5;
	s1 =	sor.u32 s1, s28;
	v5 =	vsub.f32 v6, v5;
	v9 =	vld.idx.msk [tilespmem:v15+s2+$0x0], $0xffff;
	[tilespmem:s21+$0xFFFFFFD0] =	vst v7  }
0x92: {  	v10 =	vld [tilespmem:s0+$0x2800]  }
0x93: {  	v5 =	vmul.f32 $8.838834610e-02, v5;
	v3 =	vsub.f32 v4, v3;
	v11 =	vld [tilespmem:s0+$0x2880]  }
0x94: {  	v12 =	vld [tilespmem:s3+$0x2800]  }
0x95: {  	v1 =	vsub.f32 v2, v1;
	v2 =	vmul.f32 $8.838834610e-02, v3;
	v15 =	vld [tilespmem:s3+$0x2880];
	[tilespmem:s21+$0xFFFFFFE0] =	vst v5  }
0x96: {  	v16 =	vld [tilespmem:s14+$0x2800]  }
0x97: {  	v3 =	vsub.f32 v8, v9;
	v1 =	vmul.f32 $8.838834610e-02, v1;
	v7 =	vld [tilespmem:s14+$0x2880];
	[tilespmem:s21+$0xFFFFFFF0] =	vst v2  }
0x98: {  	v9 =	vld [tilespmem:s15+$0x2800]  }
0x99: {  	v2 =	vmul.f32 $8.838834610e-02, v3;
	v8 =	vld [tilespmem:s15+$0x2880];
	[tilespmem:s21+$0xFFFFFF90] =	vst v1  }
0x9a: {  	s21 =	sadd.s32 $0x80, s21;
	v6 =	vld [tilespmem:s1+$0x2800]  }
0x9b: {  	v5 =	vld [tilespmem:s1+$0x2880];
	[tilespmem:s21+$0x0] =	vst v2  }
0x9c: {  	v4 =	vld [tilespmem:s5+$0x2800]  }
0x9d: {  	v3 =	vld [tilespmem:s5+$0x2880]  }
0x9e: {  	v2 =	vld.idx.msk [tilespmem:v0+s18+$0x0 ss:$0x1], $0xffff  }
0x9f: {  	v1 =	vld.idx.msk [tilespmem:v0+s18+$0x80 ss:$0x1], $0xffff  }
.Ltmp1:
0xa0: {  	v13 =	vld.idx.msk [tilespmem:v10+s2+$0x0], $0xffff;
	(pc) =	sbr.rel @p0 .LBB2_4-.Ltmp1, $4  }
0xa1: {  	v14 =	vld.idx.msk [tilespmem:v11+s2+$0x0], $0xffff  }
0xa2: {  	v11 =	vld.idx.msk [tilespmem:v12+s2+$0x0], $0xffff  }
0xa3: {  	v12 =	vld.idx.msk [tilespmem:v15+s2+$0x0], $0xffff  }
0xa4: {  	s23 =	sadd.s32 $0x100, s23;
	v10 =	vld.idx.msk [tilespmem:v16+s2+$0x0], $0xffff  }
0xa5: {  	_ =	sdelay $0x3  }
0xa6: {  	v7 =	vld.idx.msk [tilespmem:v7+s2+$0x0], $0xffff  }
0xa7: {  	v9 =	vld.idx.msk [tilespmem:v9+s2+$0x0], $0xffff  }
0xa8: {  	v8 =	vld.idx.msk [tilespmem:v8+s2+$0x0], $0xffff  }
0xa9: {  	v6 =	vld.idx.msk [tilespmem:v6+s2+$0x0], $0xffff  }
0xaa: {  	v5 =	vld.idx.msk [tilespmem:v5+s2+$0x0], $0xffff  }
0xab: {  	v4 =	vld.idx.msk [tilespmem:v4+s2+$0x0], $0xffff  }
0xac: {  	v3 =	vld.idx.msk [tilespmem:v3+s2+$0x0], $0xffff  }
0xad: {  	v2 =	vld.idx.msk [tilespmem:v2+s2+$0x0], $0xffff;
	v13 =	vsub.f32 v13, v14  }
0xae: {  	v1 =	vld.idx.msk [tilespmem:v1+s2+$0x0], $0xffff;
	v11 =	vsub.f32 v11, v12  }
0xaf: {  	v60 =	vmul.f32 $8.838834610e-02, v13;
	v7 =	vsub.f32 v10, v7  }
0xb0: {  	v61 =	vmul.f32 $8.838834610e-02, v11;
	v8 =	vsub.f32 v9, v8  }
0xb1: {  	[tilespmem:s21+$0xFFFFFFA0] =	vst v60;
	v5 =	vsub.f32 v6, v5;
	v7 =	vmul.f32 $8.838834610e-02, v7  }
0xb2: {  	v3 =	vsub.f32 v4, v3;
	[tilespmem:s21+$0xFFFFFFB0] =	vst v61;
	v62 =	vmul.f32 $8.838834610e-02, v8  }
0xb3: {  	v1 =	vsub.f32 v2, v1;
	v63 =	vmul.f32 $8.838834610e-02, v5;
	[tilespmem:s21+$0xFFFFFFC0] =	vst v7  }
0xb4: {  	v2 =	vmul.f32 $8.838834610e-02, v3;
	[tilespmem:s21+$0xFFFFFFD0] =	vst v62  }
0xb5: {  	v1 =	vmul.f32 $8.838834610e-02, v1;
	[tilespmem:s21+$0xFFFFFFE0] =	vst v63  }
0xb6: {  	[tilespmem:s21+$0xFFFFFFF0] =	vst v2  }
0xb7: {  	[tilespmem:s21+$0xFFFFFF90] =	vst v1  }
0xb8: {  	v1 =	vld [tilespmem:s6+$0x7600]  }
0xb9: {  	v2 =	vld [tilespmem:s6+$0x7680];
	_ =	sdelay $0x6  }
0xba: {  	v1 =	vld.idx.msk [tilespmem:v1+s2+$0x0], $0xffff  }
0xbb: {  	v2 =	vld.idx.msk [tilespmem:v2+s2+$0x0], $0xffff;
	_ =	sdelay $0x4  }
0xbc: {  	v1 =	vsub.f32 v1, v2;
	_ =	sdelay $0x1  }
0xbd: {  	s20 =	sadd.s32 $0x1, s20;
	v1 =	vmul.f32 $8.838834610e-02, v1  }
0xbe: {  	p0 =	sne.s32 s20, s9  }
.Ltmp2:
0xbf: {  	s0 =	simm.s32 $0x7800;
	[tilespmem:$0x9F00] =	vst v1;
	(pc) =	sbr.rel @p0 .LBB2_1-.Ltmp2, $4  }
0xc0: {  	[hbm4b:s8+s2] =	stream.linear.scatter [tilespmem:s0], [sflag:$0x3], $0x2710, $0x38;
	[tilespmem:$0x9F80] =	vst v63  }
0xc1: {  	_ =	swait.ge [sflag:s19], $0x2710  }
0xc2: {  	[sflag:s19] =	ssyncset.done $0x0  }
0xc3: {  	[sflag:s19] =	ssyncadd.s32 $0xFFFFD8F0  }
0xc4: {  	_ =	sfence.sel $0x180000  }
0xc5: {  	[bflag:$0x0] =	sbarrier.arrive $0xFFFF  }
0xc6: {  	_ =	strace $0x90000047  }
0xc7: {  	s0 =	stileid.u32;
	[bflag:$0x2] =	sbarrier.arrive $0xFFFF  }
0xc8: {  	p0 =	sne.s32 s0, $0x0;
	s0 =	rddreg [dreg:$0x3]  }
0xc9: {  	s0 =	sadd.s32 @!p0 $0x100000, s0  }
0xca: {  	[sflag:s0] =	ssyncadd.tile.s32 @!p0 $0x1;
	_ =	shalt  }
.Lfunc_end2:
_tile_overlayer_lowered:
.L_overlay_start_2:
0xcb: {  	(tag) =	ssettag $0x2  }
0xcc: {  	s0 =	rddreg [dreg:$0x0];
	s2 =	stileid.u32  }
0xcd: {  	s1 =	rddreg [dreg:$0x1];
	p0 =	sne.s32 s2, $0x0  }
0xce: {  	s3 =	rddreg [dreg:$0x2];
	[bflag:$0x3] =	sbarrier.arrive $0xFFFF;
	s2 =	simm.s32 @!p0 $0x1C03  }
0xcf: {  	[timem:s3], [sflag:s2] =	dma.local @!p0 [hbm:s0], s1  }
0xd0: {  	s0 =	simm.s32 @!p0 $0x3  }
0xd1: {  	_ =	swait.ge @!p0 [sflag:s0], s1  }
0xd2: {  	s1 =	ssub.s32 @!p0 $0x0, s1;
	[sflag:s0] =	ssyncset.done @!p0 $0x0  }
0xd3: {  	[sflag:s0] =	ssyncadd.s32 @!p0 s1  }
0xd4: {  	[bflag:$0x3] =	sbarrier.arrive $0xFFFF  }
0xd5: {  	_ =	shalt  }

</sc_bundles>
